<compile_context>
chip_gen: v7x
topology: tpu7x:2x2x1
jax: 0.10.2.dev20260603
libtpu: 0.0.44.dev20260713+nightly
codegen_flags: <defaults>
</compile_context>

<pallas_src>
import functools

import jax
import jax.numpy as jnp
from jax import lax
from jax.experimental import pallas as pl
from jax.experimental.pallas import tpu as pltpu
from jax.experimental.pallas import tpu_sc as plsc

N = 10000
E = 320000
D = 128
R = 8

DP = 144
BN = 256
NP = 10240
GI = NP // BN
NH = NP // 2
NCORE = 2
NSUB = 16
NPASS = R
EPW = E // NSUB
SB = 800
NBLK = EPW // SB
NGRP = SB // 16
BT = 64
CAP = 960
PK = 16384
TRASH = NH
ZR = NH // NSUB

_mesh = plsc.VectorSubcoreMesh(
    core_axis_name="c", subcore_axis_name="s", num_cores=NCORE, num_subcores=NSUB
)


@functools.partial(
    pl.kernel,
    out_type=[
        jax.ShapeDtypeStruct((R * NP, DP), jnp.float32),
    ],
    mesh=_mesh,
    compiler_params=pltpu.CompilerParams(use_tc_tiling_on_sc=False),
    scratch_types=[
        pltpu.VMEM((SB,), jnp.int32),
        pltpu.VMEM((SB,), jnp.int32),
        pltpu.VMEM((SB,), jnp.int32),
        pltpu.VMEM((CAP,), jnp.int32),
        pltpu.VMEM((8, 16), jnp.int32),
        pltpu.VMEM((1, BT), jnp.int32),
        pltpu.VMEM((1, BT), jnp.int32),
        pltpu.VMEM((BT, DP), jnp.float32),
        pltpu.VMEM_SHARED((NH + 8, DP), jnp.float32),
        pltpu.SemaphoreType.DMA,
    ],
)
def _sc_segsum(src_hbm, dst_hbm, typ_hbm, x_hbm, tab_hbm, agg_out,
               st_src, st_dst, st_typ, pk_buf, tab_v,
               idx_src, idx_loc, rows, acc, sem):
    c = lax.axis_index("c")
    s = lax.axis_index("s")

    lanes = lax.iota(jnp.int32, 16)
    onevec = jnp.where(lanes == 0, 1.0, 0.0).astype(jnp.float32)
    zvec = jnp.zeros((16,), jnp.float32)

    _dn = lax.GatherDimensionNumbers(
        offset_dims=(), collapsed_slice_dims=(0,), start_index_map=(0,))

    def _gather16(v, idx):
        return lax.gather(v, idx[:, None], _dn, slice_sizes=(1,),
                          mode=lax.GatherScatterMode.PROMISE_IN_BOUNDS)

    def _prefix16(v):
        for k in (1, 2, 4, 8):
            sh = _gather16(v, jnp.maximum(lanes - k, 0))
            v = v + jnp.where(lanes >= k, sh, 0)
        return v

    def _compress16(pref, vals):
        tgt = lanes + 1
        pos = jnp.zeros((16,), jnp.int32)
        for k in (8, 4, 2, 1):
            idx = jnp.minimum(pos + (k - 1), 15)
            cond = _gather16(pref, idx) < tgt
            pos = pos + jnp.where(cond, k, 0)
        return _gather16(vals, pos)

    base = s * ZR
    trashv = jnp.full((16,), TRASH, jnp.int32)

    def _fire(j, carry):
        jb = j * BT
        for jj in range(BT // 16):
            pk = pk_buf[pl.ds(jb + 16 * jj, 16)]
            idx_src[0, pl.ds(16 * jj, 16)] = lax.shift_right_logical(pk, 14)
            idx_loc[0, pl.ds(16 * jj, 16)] = pk & (PK - 1)
        pltpu.async_copy(x_hbm.at[idx_src.at[0]], rows, sem).wait()
        pltpu.sync_copy(rows, acc.at[idx_loc.at[0]], add=True)
        return carry

    def _zero_rows(i, carry):
        for jj in range(DP // 16):
            rows[i, pl.ds(16 * jj, 16)] = zvec
        return carry

    def _pass(t, carry):
        pltpu.sync_copy(tab_hbm.at[pl.ds(c * 64 + t * 8, 8)], tab_v)
        lax.fori_loop(0, BT, _zero_rows, 0)
        for off in range(0, ZR, BT):
            pltpu.sync_copy(rows, acc.at[pl.ds(base + off, BT)])
        plsc.subcore_barrier()

        def _block(blk, cursor):
            ebase = s * EPW + blk * SB
            pltpu.sync_copy(src_hbm.at[pl.ds(ebase, SB)], st_src)
            pltpu.sync_copy(dst_hbm.at[pl.ds(ebase, SB)], st_dst)
            pltpu.sync_copy(typ_hbm.at[pl.ds(ebase, SB)], st_typ)

            def _grp(g, cur):
                off = g * 16
                tv = st_typ[pl.ds(off, 16)]
                dvl = st_dst[pl.ds(off, 16)] - tab_v[1, :]
                pk = st_src[pl.ds(off, 16)] * PK + dvl
                m = (tv == tab_v[0, :]) & (dvl >= 0) & (dvl < NH)
                pr = _prefix16(jnp.where(m, 1, 0))
                pk_buf[pl.ds(cur, 16)] = _compress16(pr, pk)
                return cur + pr[15]

            cursor = lax.fori_loop(0, NGRP, _grp, cursor)

            nb = cursor // BT
            lax.fori_loop(0, nb, _fire, 0)
            rs = nb * BT
            for i in range(BT // 16):
                tmp = pk_buf[pl.ds(rs + 16 * i, 16)]
                pk_buf[pl.ds(16 * i, 16)] = tmp
            return cursor - rs

        cursor = lax.fori_loop(0, NBLK, _block, jnp.int32(0))

        for i in range(BT // 16):
            pk_buf[pl.ds(cursor + 16 * i, 16)] = trashv
        nlast = (cursor + BT - 1) // BT
        lax.fori_loop(0, nlast, _fire, 0)

        plsc.subcore_barrier()
        rel = (t // 2) * NCORE + c
        half = t - (t // 2) * 2
        hb = rel * NP + half * NH + base
        for off in range(0, ZR, BT):
            pltpu.sync_copy(acc.at[pl.ds(base + off, BT)], rows)
            pltpu.sync_copy(rows, agg_out.at[pl.ds(hb + off, BT)])
        plsc.subcore_barrier()
        return carry

    lax.fori_loop(0, NPASS, _pass, 0)


def _tc_body(agg_ref, x_ref, wr_ref, lw_ref, out_ref):
    r = pl.program_id(1)
    a = agg_ref[...]
    scale = 1.0 / jnp.maximum(a[:, 128:129], 1.0)
    h = jnp.dot(a[:, :128] * scale, wr_ref[0],
                preferred_element_type=jnp.float32)

    @pl.when(r == 0)
    def _():
        out_ref[...] = h + jnp.dot(x_ref[...][:, :128], lw_ref[...],
                                   preferred_element_type=jnp.float32)

    @pl.when(r > 0)
    def _():
        out_ref[...] = out_ref[...] + h


def _tc_combine(agg, x_pad, W_rel, loop_weight):
    return pl.pallas_call(
        _tc_body,
        grid=(GI, R),
        in_specs=[
            pl.BlockSpec((BN, DP), lambda i, r: (r * GI + i, 0)),
            pl.BlockSpec((BN, DP), lambda i, r: (i, 0)),
            pl.BlockSpec((1, D, D), lambda i, r: (r, 0, 0)),
            pl.BlockSpec((D, D), lambda i, r: (0, 0)),
        ],
        out_specs=pl.BlockSpec((BN, D), lambda i, r: (i, 0)),
        out_shape=jax.ShapeDtypeStruct((NP, D), jnp.float32),
    )(agg, x_pad, W_rel, loop_weight)


def _pass_table():
    import numpy as np
    tab = np.zeros((NCORE * NPASS * 8, 16), np.int32)
    for c in range(NCORE):
        for t in range(NPASS):
            rel = (t // 2) * NCORE + c
            half = t % 2
            tab[c * 64 + t * 8 + 0, :] = rel
            tab[c * 64 + t * 8 + 1, :] = half * NH
    return jnp.asarray(tab)


def kernel(x, edge_index, edge_type, W_rel, loop_weight, reverse):
    x = x.astype(jnp.float32)
    ei = edge_index.astype(jnp.int32)
    et = edge_type.astype(jnp.int32)
    rev = jnp.asarray(reverse, jnp.int32)
    src = jnp.where(rev != 0, ei[1], ei[0])
    dst = jnp.where(rev != 0, ei[0], ei[1])
    x_pad = jnp.zeros((NP, DP), jnp.float32).at[:N, :D].set(x)
    x_pad = x_pad.at[:, D].set(1.0)
    agg = _sc_segsum(src, dst, et, x_pad, _pass_table())[0]
    out = _tc_combine(agg, x_pad,
                      W_rel.astype(jnp.float32), loop_weight.astype(jnp.float32))
    return out[:N]

# --- scband reference (transcript-rebuilt; emitter-appended) ---
"""Pipeline reference for scband-rgcnlayer-85332410237465 (READ-ONLY COPY).

The authoritative reference and input builder live on the scoring server;
editing this copy changes nothing except your own understanding.
"""

import jax, jax.numpy as jnp
import numpy as np

N = 10000
E = 320000
D = 128
R = 8

def setup_inputs(seed: int = 0) -> dict:
    key = jax.random.key(seed)
    k1, k2, k3, k4, k5 = jax.random.split(key, 5)
    x = jax.random.normal(k1, (N, D), dtype=jnp.float32)
    edge_index = jax.random.randint(k2, (2, E), 0, N)
    edge_type = jax.random.randint(k3, (E,), 0, R)
    W_rel = jax.random.normal(k4, (R, D, D), dtype=jnp.float32) * 0.05
    loop_weight = jax.random.normal(k5, (D, D), dtype=jnp.float32) * 0.05
    return {"x": x, "edge_index": edge_index, "edge_type": edge_type,
            "W_rel": W_rel, "loop_weight": loop_weight, "reverse": 0}

def reference(x, edge_index, edge_type, W_rel, loop_weight, reverse):
    # RGCNLayer.forward: self-loop message + relation-typed propagate + combine.
    # self_loop=True, bias=False, activation=None, dropout=0.
    src = jnp.where(reverse, edge_index[1], edge_index[0])
    dst = jnp.where(reverse, edge_index[0], edge_index[1])
    loop_message = x @ loop_weight
    # propagate: per-(dst, relation) mean aggregation of source features,
    # then relation-specific linear transform (standard RGCN message func).
    seg = dst * R + edge_type
    msgs = jnp.take(x, src, axis=0)
    agg = jax.ops.segment_sum(msgs, seg, num_segments=N * R)
    cnt = jax.ops.segment_sum(jnp.ones((E,), dtype=x.dtype), seg, num_segments=N * R)
    agg = agg.reshape(N, R, D) / jnp.maximum(cnt, 1.0).reshape(N, R, 1)
    h = jnp.einsum('nri,rio->no', agg, W_rel)
    node_repr = h + loop_message
    return node_repr

if __name__ == "__main__":
    import jax
    _d = setup_inputs()
    print(jax.jit(kernel)(*tuple(_d.values())))

</pallas_src>

<mosaic_0001>
#map = affine_map<(d0, d1) -> (0)>
#map1 = affine_map<(d0, d1) -> (0, 0)>
module attributes {stable_mosaic.version = 14 : i64} {
  func.func @_sc_segsum(%arg0: i32, %arg1: i32, %arg2: memref<320000xi32, #tpu.memory_space<hbm>>, %arg3: memref<320000xi32, #tpu.memory_space<hbm>>, %arg4: memref<320000xi32, #tpu.memory_space<hbm>>, %arg5: memref<10240x144xf32, #tpu.memory_space<hbm>>, %arg6: memref<128x16xi32, #tpu.memory_space<hbm>>, %arg7: memref<81920x144xf32, #tpu.memory_space<hbm>>, %arg8: memref<800xi32, #tpu.memory_space<vmem>>, %arg9: memref<800xi32, #tpu.memory_space<vmem>>, %arg10: memref<800xi32, #tpu.memory_space<vmem>>, %arg11: memref<960xi32, #tpu.memory_space<vmem>>, %arg12: memref<8x16xi32, #tpu.memory_space<vmem>>, %arg13: memref<1x64xi32, #tpu.memory_space<vmem>>, %arg14: memref<1x64xi32, #tpu.memory_space<vmem>>, %arg15: memref<64x144xf32, #tpu.memory_space<vmem>>, %arg16: memref<5128x144xf32, #tpu.memory_space<vmem_shared>>, %arg17: memref<!tpu.dma_semaphore, #tpu.memory_space<semaphore_mem>>) attributes {dimension_semantics = [#tpu.dimension_semantics<core_parallel>, #tpu.dimension_semantics<subcore_parallel>], iteration_bounds = array<i64: 2, 16>, scalar_prefetch = 0 : i64, scratch_operands = 10 : i64, tpu.core_type = #tpu.core_type<sc_vector_subcore>, window_params = [{transform_indices = #map}, {transform_indices = #map}, {transform_indices = #map}, {transform_indices = #map1}, {transform_indices = #map1}, {transform_indices = #map1}]} {
    %iota3A = tpu.iota {dimensions = array<i32: 0>} : vector<16xi32>
    %eq3A = arith.constant 0 : i32
    %eq3A_0 = vector.broadcast %eq3A : i32 to vector<16xi32>
    %eq3A_1 = arith.cmpi eq, %iota3A, %eq3A_0 : vector<16xi32>
    %jit3A = arith.constant 1.000000e+00 : f32
    %jit3A_2 = arith.constant 0.000000e+00 : f32
    %broadcast_in_dim3A = vector.broadcast %jit3A : f32 to vector<16xf32>
    %broadcast_in_dim3A_3 = vector.broadcast %jit3A_2 : f32 to vector<16xf32>
    %select_n3A = arith.select %eq3A_1, %broadcast_in_dim3A, %broadcast_in_dim3A_3 : vector<16xi1>, vector<16xf32>
    %broadcast_in_dim3A_4 = arith.constant 0.000000e+00 : f32
    %broadcast_in_dim3A_5 = vector.broadcast %broadcast_in_dim3A_4 : f32 to vector<16xf32>
    %mul3A = arith.constant 320 : i32
    %mul3A_6 = arith.muli %arg1, %mul3A : i32
    %broadcast_in_dim3A_7 = arith.constant 5120 : i32
    %broadcast_in_dim3A_8 = vector.broadcast %broadcast_in_dim3A_7 : i32 to vector<16xi32>
    %scan3A = arith.constant 0 : i32
    %scan3A_9 = arith.constant 0 : i32
    %scan3A_10 = arith.constant 8 : i32
    %scan3A_11 = arith.addi %scan3A_9, %scan3A_10 : i32
    %scan3A_12 = arith.constant 1 : i32
    scf.for %scan3A_14 = %scan3A_9 to %scan3A_11 step %scan3A_12  : i32 {
      %mul3A_15 = arith.constant 64 : i32
      %mul3A_16 = arith.muli %arg0, %mul3A_15 : i32
      %mul3A_17 = arith.constant 8 : i32
      %mul3A_18 = arith.muli %scan3A_14, %mul3A_17 : i32
      %add3A = arith.addi %mul3A_16, %mul3A_18 : i32
      "tpu.region"() ({
        %run_scoped3A = tpu.sem_alloc : memref<!tpu.dma_semaphore, #tpu.memory_space<semaphore_mem>>
        %dma_start3A = arith.constant 0 : i32
        %dma_start3A_178 = tpu.memref_slice %arg6[%add3A, %dma_start3A] : memref<128x16xi32, #tpu.memory_space<hbm>> -> memref<8x16xi32, #tpu.memory_space<hbm>>
        %dma_start3A_179 = arith.constant 0 : i32
        %dma_start3A_180 = tpu.memref_slice %arg6[%add3A, %dma_start3A_179] : memref<128x16xi32, #tpu.memory_space<hbm>> -> memref<8x16xi32, #tpu.memory_space<hbm>>
        tpu.enqueue_dma source(%dma_start3A_180 : memref<8x16xi32, #tpu.memory_space<hbm>>) target(%arg12 : memref<8x16xi32, #tpu.memory_space<vmem>>) target_semaphore(%run_scoped3A : memref<!tpu.dma_semaphore, #tpu.memory_space<semaphore_mem>>)
        %dma_wait3A = arith.constant 0 : i32
        %dma_wait3A_181 = tpu.memref_slice %arg6[%add3A, %dma_wait3A] : memref<128x16xi32, #tpu.memory_space<hbm>> -> memref<8x16xi32, #tpu.memory_space<hbm>>
        %dma_wait3A_182 = arith.constant 0 : i32
        %dma_wait3A_183 = tpu.memref_slice %arg6[%add3A, %dma_wait3A_182] : memref<128x16xi32, #tpu.memory_space<hbm>> -> memref<8x16xi32, #tpu.memory_space<hbm>>
        tpu.wait_dma2 semaphore(%run_scoped3A : memref<!tpu.dma_semaphore, #tpu.memory_space<semaphore_mem>>) src(%dma_wait3A_183 : memref<8x16xi32, #tpu.memory_space<hbm>>) dst(%arg12 : memref<8x16xi32, #tpu.memory_space<vmem>>)
        tpu.yield
      }) : () -> ()
      %scan3A_19 = arith.constant 0 : i32
      %scan3A_20 = arith.constant 0 : i32
      %scan3A_21 = arith.constant 64 : i32
      %scan3A_22 = arith.addi %scan3A_20, %scan3A_21 : i32
      %scan3A_23 = arith.constant 1 : i32
      scf.for %scan3A_178 = %scan3A_20 to %scan3A_22 step %scan3A_23  : i32 {
        %swap3A_179 = arith.index_cast %scan3A_178 : i32 to index
        %swap3A_180 = arith.constant 0 : index
        %swap3A_181 = tpu.vector_load %arg15[%swap3A_179, %swap3A_180] {strides = array<i32>} : memref<64x144xf32, #tpu.memory_space<vmem>>, vector<1x16xf32>,
        %swap3A_182 = vector.shape_cast %swap3A_181 : vector<1x16xf32> to vector<16xf32>
        %swap3A_183 = vector.shape_cast %broadcast_in_dim3A_5 : vector<16xf32> to vector<1x16xf32>
        tpu.vector_store %arg15[%swap3A_179, %swap3A_180], %swap3A_183 {strides = array<i32>} : memref<64x144xf32, #tpu.memory_space<vmem>>, vector<1x16xf32>,
        %swap3A_184 = arith.index_cast %scan3A_178 : i32 to index
        %swap3A_185 = arith.constant 16 : index
        %swap3A_186 = tpu.vector_load %arg15[%swap3A_184, %swap3A_185] {strides = array<i32>} : memref<64x144xf32, #tpu.memory_space<vmem>>, vector<1x16xf32>,
        %swap3A_187 = vector.shape_cast %swap3A_186 : vector<1x16xf32> to vector<16xf32>
        %swap3A_188 = vector.shape_cast %broadcast_in_dim3A_5 : vector<16xf32> to vector<1x16xf32>
        tpu.vector_store %arg15[%swap3A_184, %swap3A_185], %swap3A_188 {strides = array<i32>} : memref<64x144xf32, #tpu.memory_space<vmem>>, vector<1x16xf32>,
        %swap3A_189 = arith.index_cast %scan3A_178 : i32 to index
        %swap3A_190 = arith.constant 32 : index
        %swap3A_191 = tpu.vector_load %arg15[%swap3A_189, %swap3A_190] {strides = array<i32>} : memref<64x144xf32, #tpu.memory_space<vmem>>, vector<1x16xf32>,
        %swap3A_192 = vector.shape_cast %swap3A_191 : vector<1x16xf32> to vector<16xf32>
        %swap3A_193 = vector.shape_cast %broadcast_in_dim3A_5 : vector<16xf32> to vector<1x16xf32>
        tpu.vector_store %arg15[%swap3A_189, %swap3A_190], %swap3A_193 {strides = array<i32>} : memref<64x144xf32, #tpu.memory_space<vmem>>, vector<1x16xf32>,
        %swap3A_194 = arith.index_cast %scan3A_178 : i32 to index
        %swap3A_195 = arith.constant 48 : index
        %swap3A_196 = tpu.vector_load %arg15[%swap3A_194, %swap3A_195] {strides = array<i32>} : memref<64x144xf32, #tpu.memory_space<vmem>>, vector<1x16xf32>,
        %swap3A_197 = vector.shape_cast %swap3A_196 : vector<1x16xf32> to vector<16xf32>
        %swap3A_198 = vector.shape_cast %broadcast_in_dim3A_5 : vector<16xf32> to vector<1x16xf32>
        tpu.vector_store %arg15[%swap3A_194, %swap3A_195], %swap3A_198 {strides = array<i32>} : memref<64x144xf32, #tpu.memory_space<vmem>>, vector<1x16xf32>,
        %swap3A_199 = arith.index_cast %scan3A_178 : i32 to index
        %swap3A_200 = arith.constant 64 : index
        %swap3A_201 = tpu.vector_load %arg15[%swap3A_199, %swap3A_200] {strides = array<i32>} : memref<64x144xf32, #tpu.memory_space<vmem>>, vector<1x16xf32>,
        %swap3A_202 = vector.shape_cast %swap3A_201 : vector<1x16xf32> to vector<16xf32>
        %swap3A_203 = vector.shape_cast %broadcast_in_dim3A_5 : vector<16xf32> to vector<1x16xf32>
        tpu.vector_store %arg15[%swap3A_199, %swap3A_200], %swap3A_203 {strides = array<i32>} : memref<64x144xf32, #tpu.memory_space<vmem>>, vector<1x16xf32>,
        %swap3A_204 = arith.index_cast %scan3A_178 : i32 to index
        %swap3A_205 = arith.constant 80 : index
        %swap3A_206 = tpu.vector_load %arg15[%swap3A_204, %swap3A_205] {strides = array<i32>} : memref<64x144xf32, #tpu.memory_space<vmem>>, vector<1x16xf32>,
        %swap3A_207 = vector.shape_cast %swap3A_206 : vector<1x16xf32> to vector<16xf32>
        %swap3A_208 = vector.shape_cast %broadcast_in_dim3A_5 : vector<16xf32> to vector<1x16xf32>
        tpu.vector_store %arg15[%swap3A_204, %swap3A_205], %swap3A_208 {strides = array<i32>} : memref<64x144xf32, #tpu.memory_space<vmem>>, vector<1x16xf32>,
        %swap3A_209 = arith.index_cast %scan3A_178 : i32 to index
        %swap3A_210 = arith.constant 96 : index
        %swap3A_211 = tpu.vector_load %arg15[%swap3A_209, %swap3A_210] {strides = array<i32>} : memref<64x144xf32, #tpu.memory_space<vmem>>, vector<1x16xf32>,
        %swap3A_212 = vector.shape_cast %swap3A_211 : vector<1x16xf32> to vector<16xf32>
        %swap3A_213 = vector.shape_cast %broadcast_in_dim3A_5 : vector<16xf32> to vector<1x16xf32>
        tpu.vector_store %arg15[%swap3A_209, %swap3A_210], %swap3A_213 {strides = array<i32>} : memref<64x144xf32, #tpu.memory_space<vmem>>, vector<1x16xf32>,
        %swap3A_214 = arith.index_cast %scan3A_178 : i32 to index
        %swap3A_215 = arith.constant 112 : index
        %swap3A_216 = tpu.vector_load %arg15[%swap3A_214, %swap3A_215] {strides = array<i32>} : memref<64x144xf32, #tpu.memory_space<vmem>>, vector<1x16xf32>,
        %swap3A_217 = vector.shape_cast %swap3A_216 : vector<1x16xf32> to vector<16xf32>
        %swap3A_218 = vector.shape_cast %broadcast_in_dim3A_5 : vector<16xf32> to vector<1x16xf32>
        tpu.vector_store %arg15[%swap3A_214, %swap3A_215], %swap3A_218 {strides = array<i32>} : memref<64x144xf32, #tpu.memory_space<vmem>>, vector<1x16xf32>,
        %swap3A_219 = arith.index_cast %scan3A_178 : i32 to index
        %swap3A_220 = arith.constant 128 : index
        %swap3A_221 = tpu.vector_load %arg15[%swap3A_219, %swap3A_220] {strides = array<i32>} : memref<64x144xf32, #tpu.memory_space<vmem>>, vector<1x16xf32>,
        %swap3A_222 = vector.shape_cast %swap3A_221 : vector<1x16xf32> to vector<16xf32>
        %swap3A_223 = vector.shape_cast %broadcast_in_dim3A_5 : vector<16xf32> to vector<1x16xf32>
        tpu.vector_store %arg15[%swap3A_219, %swap3A_220], %swap3A_223 {strides = array<i32>} : memref<64x144xf32, #tpu.memory_space<vmem>>, vector<1x16xf32>,
      }
      %scan3A_24 = arith.constant 64 : i32
      %add3A_25 = arith.constant 0 : i32
      %add3A_26 = arith.addi %mul3A_6, %add3A_25 : i32
      "tpu.region"() ({
        %run_scoped3A = tpu.sem_alloc : memref<!tpu.dma_semaphore, #tpu.memory_space<semaphore_mem>>
        %dma_start3A = arith.constant 0 : i32
        %dma_start3A_178 = tpu.memref_slice %arg16[%add3A_26, %dma_start3A] : memref<5128x144xf32, #tpu.memory_space<vmem_shared>> -> memref<64x144xf32, #tpu.memory_space<vmem_shared>>
        %dma_start3A_179 = arith.constant 0 : i32
        %dma_start3A_180 = tpu.memref_slice %arg16[%add3A_26, %dma_start3A_179] : memref<5128x144xf32, #tpu.memory_space<vmem_shared>> -> memref<64x144xf32, #tpu.memory_space<vmem_shared>>
        tpu.enqueue_dma source(%arg15 : memref<64x144xf32, #tpu.memory_space<vmem>>) target(%dma_start3A_180 : memref<64x144xf32, #tpu.memory_space<vmem_shared>>) target_semaphore(%run_scoped3A : memref<!tpu.dma_semaphore, #tpu.memory_space<semaphore_mem>>)
        %dma_wait3A = arith.constant 0 : i32
        %dma_wait3A_181 = tpu.memref_slice %arg16[%add3A_26, %dma_wait3A] : memref<5128x144xf32, #tpu.memory_space<vmem_shared>> -> memref<64x144xf32, #tpu.memory_space<vmem_shared>>
        %dma_wait3A_182 = arith.constant 0 : i32
        %dma_wait3A_183 = tpu.memref_slice %arg16[%add3A_26, %dma_wait3A_182] : memref<5128x144xf32, #tpu.memory_space<vmem_shared>> -> memref<64x144xf32, #tpu.memory_space<vmem_shared>>
        tpu.wait_dma2 semaphore(%run_scoped3A : memref<!tpu.dma_semaphore, #tpu.memory_space<semaphore_mem>>) src(%arg15 : memref<64x144xf32, #tpu.memory_space<vmem>>) dst(%dma_wait3A_183 : memref<64x144xf32, #tpu.memory_space<vmem_shared>>)
        tpu.yield
      }) : () -> ()
      %add3A_27 = arith.constant 64 : i32
      %add3A_28 = arith.addi %mul3A_6, %add3A_27 : i32
      "tpu.region"() ({
        %run_scoped3A = tpu.sem_alloc : memref<!tpu.dma_semaphore, #tpu.memory_space<semaphore_mem>>
        %dma_start3A = arith.constant 0 : i32
        %dma_start3A_178 = tpu.memref_slice %arg16[%add3A_28, %dma_start3A] : memref<5128x144xf32, #tpu.memory_space<vmem_shared>> -> memref<64x144xf32, #tpu.memory_space<vmem_shared>>
        %dma_start3A_179 = arith.constant 0 : i32
        %dma_start3A_180 = tpu.memref_slice %arg16[%add3A_28, %dma_start3A_179] : memref<5128x144xf32, #tpu.memory_space<vmem_shared>> -> memref<64x144xf32, #tpu.memory_space<vmem_shared>>
        tpu.enqueue_dma source(%arg15 : memref<64x144xf32, #tpu.memory_space<vmem>>) target(%dma_start3A_180 : memref<64x144xf32, #tpu.memory_space<vmem_shared>>) target_semaphore(%run_scoped3A : memref<!tpu.dma_semaphore, #tpu.memory_space<semaphore_mem>>)
        %dma_wait3A = arith.constant 0 : i32
        %dma_wait3A_181 = tpu.memref_slice %arg16[%add3A_28, %dma_wait3A] : memref<5128x144xf32, #tpu.memory_space<vmem_shared>> -> memref<64x144xf32, #tpu.memory_space<vmem_shared>>
        %dma_wait3A_182 = arith.constant 0 : i32
        %dma_wait3A_183 = tpu.memref_slice %arg16[%add3A_28, %dma_wait3A_182] : memref<5128x144xf32, #tpu.memory_space<vmem_shared>> -> memref<64x144xf32, #tpu.memory_space<vmem_shared>>
        tpu.wait_dma2 semaphore(%run_scoped3A : memref<!tpu.dma_semaphore, #tpu.memory_space<semaphore_mem>>) src(%arg15 : memref<64x144xf32, #tpu.memory_space<vmem>>) dst(%dma_wait3A_183 : memref<64x144xf32, #tpu.memory_space<vmem_shared>>)
        tpu.yield
      }) : () -> ()
      %add3A_29 = arith.constant 128 : i32
      %add3A_30 = arith.addi %mul3A_6, %add3A_29 : i32
      "tpu.region"() ({
        %run_scoped3A = tpu.sem_alloc : memref<!tpu.dma_semaphore, #tpu.memory_space<semaphore_mem>>
        %dma_start3A = arith.constant 0 : i32
        %dma_start3A_178 = tpu.memref_slice %arg16[%add3A_30, %dma_start3A] : memref<5128x144xf32, #tpu.memory_space<vmem_shared>> -> memref<64x144xf32, #tpu.memory_space<vmem_shared>>
        %dma_start3A_179 = arith.constant 0 : i32
        %dma_start3A_180 = tpu.memref_slice %arg16[%add3A_30, %dma_start3A_179] : memref<5128x144xf32, #tpu.memory_space<vmem_shared>> -> memref<64x144xf32, #tpu.memory_space<vmem_shared>>
        tpu.enqueue_dma source(%arg15 : memref<64x144xf32, #tpu.memory_space<vmem>>) target(%dma_start3A_180 : memref<64x144xf32, #tpu.memory_space<vmem_shared>>) target_semaphore(%run_scoped3A : memref<!tpu.dma_semaphore, #tpu.memory_space<semaphore_mem>>)
        %dma_wait3A = arith.constant 0 : i32
        %dma_wait3A_181 = tpu.memref_slice %arg16[%add3A_30, %dma_wait3A] : memref<5128x144xf32, #tpu.memory_space<vmem_shared>> -> memref<64x144xf32, #tpu.memory_space<vmem_shared>>
        %dma_wait3A_182 = arith.constant 0 : i32
        %dma_wait3A_183 = tpu.memref_slice %arg16[%add3A_30, %dma_wait3A_182] : memref<5128x144xf32, #tpu.memory_space<vmem_shared>> -> memref<64x144xf32, #tpu.memory_space<vmem_shared>>
        tpu.wait_dma2 semaphore(%run_scoped3A : memref<!tpu.dma_semaphore, #tpu.memory_space<semaphore_mem>>) src(%arg15 : memref<64x144xf32, #tpu.memory_space<vmem>>) dst(%dma_wait3A_183 : memref<64x144xf32, #tpu.memory_space<vmem_shared>>)
        tpu.yield
      }) : () -> ()
      %add3A_31 = arith.constant 192 : i32
      %add3A_32 = arith.addi %mul3A_6, %add3A_31 : i32
      "tpu.region"() ({
        %run_scoped3A = tpu.sem_alloc : memref<!tpu.dma_semaphore, #tpu.memory_space<semaphore_mem>>
        %dma_start3A = arith.constant 0 : i32
        %dma_start3A_178 = tpu.memref_slice %arg16[%add3A_32, %dma_start3A] : memref<5128x144xf32, #tpu.memory_space<vmem_shared>> -> memref<64x144xf32, #tpu.memory_space<vmem_shared>>
        %dma_start3A_179 = arith.constant 0 : i32
        %dma_start3A_180 = tpu.memref_slice %arg16[%add3A_32, %dma_start3A_179] : memref<5128x144xf32, #tpu.memory_space<vmem_shared>> -> memref<64x144xf32, #tpu.memory_space<vmem_shared>>
        tpu.enqueue_dma source(%arg15 : memref<64x144xf32, #tpu.memory_space<vmem>>) target(%dma_start3A_180 : memref<64x144xf32, #tpu.memory_space<vmem_shared>>) target_semaphore(%run_scoped3A : memref<!tpu.dma_semaphore, #tpu.memory_space<semaphore_mem>>)
        %dma_wait3A = arith.constant 0 : i32
        %dma_wait3A_181 = tpu.memref_slice %arg16[%add3A_32, %dma_wait3A] : memref<5128x144xf32, #tpu.memory_space<vmem_shared>> -> memref<64x144xf32, #tpu.memory_space<vmem_shared>>
        %dma_wait3A_182 = arith.constant 0 : i32
        %dma_wait3A_183 = tpu.memref_slice %arg16[%add3A_32, %dma_wait3A_182] : memref<5128x144xf32, #tpu.memory_space<vmem_shared>> -> memref<64x144xf32, #tpu.memory_space<vmem_shared>>
        tpu.wait_dma2 semaphore(%run_scoped3A : memref<!tpu.dma_semaphore, #tpu.memory_space<semaphore_mem>>) src(%arg15 : memref<64x144xf32, #tpu.memory_space<vmem>>) dst(%dma_wait3A_183 : memref<64x144xf32, #tpu.memory_space<vmem_shared>>)
        tpu.yield
      }) : () -> ()
      %add3A_33 = arith.constant 256 : i32
      %add3A_34 = arith.addi %mul3A_6, %add3A_33 : i32
      "tpu.region"() ({
        %run_scoped3A = tpu.sem_alloc : memref<!tpu.dma_semaphore, #tpu.memory_space<semaphore_mem>>
        %dma_start3A = arith.constant 0 : i32
        %dma_start3A_178 = tpu.memref_slice %arg16[%add3A_34, %dma_start3A] : memref<5128x144xf32, #tpu.memory_space<vmem_shared>> -> memref<64x144xf32, #tpu.memory_space<vmem_shared>>
        %dma_start3A_179 = arith.constant 0 : i32
        %dma_start3A_180 = tpu.memref_slice %arg16[%add3A_34, %dma_start3A_179] : memref<5128x144xf32, #tpu.memory_space<vmem_shared>> -> memref<64x144xf32, #tpu.memory_space<vmem_shared>>
        tpu.enqueue_dma source(%arg15 : memref<64x144xf32, #tpu.memory_space<vmem>>) target(%dma_start3A_180 : memref<64x144xf32, #tpu.memory_space<vmem_shared>>) target_semaphore(%run_scoped3A : memref<!tpu.dma_semaphore, #tpu.memory_space<semaphore_mem>>)
        %dma_wait3A = arith.constant 0 : i32
        %dma_wait3A_181 = tpu.memref_slice %arg16[%add3A_34, %dma_wait3A] : memref<5128x144xf32, #tpu.memory_space<vmem_shared>> -> memref<64x144xf32, #tpu.memory_space<vmem_shared>>
        %dma_wait3A_182 = arith.constant 0 : i32
        %dma_wait3A_183 = tpu.memref_slice %arg16[%add3A_34, %dma_wait3A_182] : memref<5128x144xf32, #tpu.memory_space<vmem_shared>> -> memref<64x144xf32, #tpu.memory_space<vmem_shared>>
        tpu.wait_dma2 semaphore(%run_scoped3A : memref<!tpu.dma_semaphore, #tpu.memory_space<semaphore_mem>>) src(%arg15 : memref<64x144xf32, #tpu.memory_space<vmem>>) dst(%dma_wait3A_183 : memref<64x144xf32, #tpu.memory_space<vmem_shared>>)
        tpu.yield
      }) : () -> ()
      %barrier3A = arith.constant 0 : index
      tpu.barrier barrier_id(%barrier3A)
      %scan3A_35 = arith.constant 0 : i32
      %scan3A_36 = arith.constant 0 : i32
      %scan3A_37 = arith.constant 25 : i32
      %scan3A_38 = arith.addi %scan3A_36, %scan3A_37 : i32
      %scan3A_39 = arith.constant 1 : i32
      %scan3A_40 = scf.for %scan3A_178 = %scan3A_36 to %scan3A_38 step %scan3A_39 iter_args(%scan3A_179 = %scan3A_35) -> (i32)  : i32 {
        %mul3A_180 = arith.constant 20000 : i32
        %mul3A_181 = arith.muli %arg1, %mul3A_180 : i32
        %mul3A_182 = arith.constant 800 : i32
        %mul3A_183 = arith.muli %scan3A_178, %mul3A_182 : i32
        %add3A_184 = arith.addi %mul3A_181, %mul3A_183 : i32
        "tpu.region"() ({
          %run_scoped3A = tpu.sem_alloc : memref<!tpu.dma_semaphore, #tpu.memory_space<semaphore_mem>>
          %dma_start3A = tpu.memref_slice %arg2[%add3A_184] : memref<320000xi32, #tpu.memory_space<hbm>> -> memref<800xi32, #tpu.memory_space<hbm>>
          %dma_start3A_263 = tpu.memref_slice %arg2[%add3A_184] : memref<320000xi32, #tpu.memory_space<hbm>> -> memref<800xi32, #tpu.memory_space<hbm>>
          tpu.enqueue_dma source(%dma_start3A_263 : memref<800xi32, #tpu.memory_space<hbm>>) target(%arg8 : memref<800xi32, #tpu.memory_space<vmem>>) target_semaphore(%run_scoped3A : memref<!tpu.dma_semaphore, #tpu.memory_space<semaphore_mem>>)
          %dma_wait3A = tpu.memref_slice %arg2[%add3A_184] : memref<320000xi32, #tpu.memory_space<hbm>> -> memref<800xi32, #tpu.memory_space<hbm>>
          %dma_wait3A_264 = tpu.memref_slice %arg2[%add3A_184] : memref<320000xi32, #tpu.memory_space<hbm>> -> memref<800xi32, #tpu.memory_space<hbm>>
          tpu.wait_dma2 semaphore(%run_scoped3A : memref<!tpu.dma_semaphore, #tpu.memory_space<semaphore_mem>>) src(%dma_wait3A_264 : memref<800xi32, #tpu.memory_space<hbm>>) dst(%arg8 : memref<800xi32, #tpu.memory_space<vmem>>)
          tpu.yield
        }) : () -> ()
        "tpu.region"() ({
          %run_scoped3A = tpu.sem_alloc : memref<!tpu.dma_semaphore, #tpu.memory_space<semaphore_mem>>
          %dma_start3A = tpu.memref_slice %arg3[%add3A_184] : memref<320000xi32, #tpu.memory_space<hbm>> -> memref<800xi32, #tpu.memory_space<hbm>>
          %dma_start3A_263 = tpu.memref_slice %arg3[%add3A_184] : memref<320000xi32, #tpu.memory_space<hbm>> -> memref<800xi32, #tpu.memory_space<hbm>>
          tpu.enqueue_dma source(%dma_start3A_263 : memref<800xi32, #tpu.memory_space<hbm>>) target(%arg9 : memref<800xi32, #tpu.memory_space<vmem>>) target_semaphore(%run_scoped3A : memref<!tpu.dma_semaphore, #tpu.memory_space<semaphore_mem>>)
          %dma_wait3A = tpu.memref_slice %arg3[%add3A_184] : memref<320000xi32, #tpu.memory_space<hbm>> -> memref<800xi32, #tpu.memory_space<hbm>>
          %dma_wait3A_264 = tpu.memref_slice %arg3[%add3A_184] : memref<320000xi32, #tpu.memory_space<hbm>> -> memref<800xi32, #tpu.memory_space<hbm>>
          tpu.wait_dma2 semaphore(%run_scoped3A : memref<!tpu.dma_semaphore, #tpu.memory_space<semaphore_mem>>) src(%dma_wait3A_264 : memref<800xi32, #tpu.memory_space<hbm>>) dst(%arg9 : memref<800xi32, #tpu.memory_space<vmem>>)
          tpu.yield
        }) : () -> ()
        "tpu.region"() ({
          %run_scoped3A = tpu.sem_alloc : memref<!tpu.dma_semaphore, #tpu.memory_space<semaphore_mem>>
          %dma_start3A = tpu.memref_slice %arg4[%add3A_184] : memref<320000xi32, #tpu.memory_space<hbm>> -> memref<800xi32, #tpu.memory_space<hbm>>
          %dma_start3A_263 = tpu.memref_slice %arg4[%add3A_184] : memref<320000xi32, #tpu.memory_space<hbm>> -> memref<800xi32, #tpu.memory_space<hbm>>
          tpu.enqueue_dma source(%dma_start3A_263 : memref<800xi32, #tpu.memory_space<hbm>>) target(%arg10 : memref<800xi32, #tpu.memory_space<vmem>>) target_semaphore(%run_scoped3A : memref<!tpu.dma_semaphore, #tpu.memory_space<semaphore_mem>>)
          %dma_wait3A = tpu.memref_slice %arg4[%add3A_184] : memref<320000xi32, #tpu.memory_space<hbm>> -> memref<800xi32, #tpu.memory_space<hbm>>
          %dma_wait3A_264 = tpu.memref_slice %arg4[%add3A_184] : memref<320000xi32, #tpu.memory_space<hbm>> -> memref<800xi32, #tpu.memory_space<hbm>>
          tpu.wait_dma2 semaphore(%run_scoped3A : memref<!tpu.dma_semaphore, #tpu.memory_space<semaphore_mem>>) src(%dma_wait3A_264 : memref<800xi32, #tpu.memory_space<hbm>>) dst(%arg10 : memref<800xi32, #tpu.memory_space<vmem>>)
          tpu.yield
        }) : () -> ()
        %scan3A_185 = arith.constant 0 : i32
        %scan3A_186 = arith.constant 50 : i32
        %scan3A_187 = arith.addi %scan3A_185, %scan3A_186 : i32
        %scan3A_188 = arith.constant 1 : i32
        %scan3A_189 = scf.for %scan3A_263 = %scan3A_185 to %scan3A_187 step %scan3A_188 iter_args(%scan3A_264 = %scan3A_179) -> (i32)  : i32 {
          %mul3A_265 = arith.constant 16 : i32
          %mul3A_266 = arith.muli %scan3A_263, %mul3A_265 : i32
          %get3A_267 = arith.index_cast %mul3A_266 : i32 to index
          %get3A_268 = tpu.vector_load %arg10[%get3A_267] {strides = array<i32>} : memref<800xi32, #tpu.memory_space<vmem>>, vector<16xi32>,
          %get3A_269 = vector.shape_cast %get3A_268 : vector<16xi32> to vector<16xi32>
          %get3A_270 = arith.index_cast %mul3A_266 : i32 to index
          %get3A_271 = tpu.vector_load %arg9[%get3A_270] {strides = array<i32>} : memref<800xi32, #tpu.memory_space<vmem>>, vector<16xi32>,
          %get3A_272 = vector.shape_cast %get3A_271 : vector<16xi32> to vector<16xi32>
          %get3A_273 = arith.constant 1 : i32
          %get3A_274 = arith.index_cast %get3A_273 : i32 to index
          %get3A_275 = arith.constant 0 : index
          %get3A_276 = tpu.vector_load %arg12[%get3A_274, %get3A_275] {strides = array<i32>} : memref<8x16xi32, #tpu.memory_space<vmem>>, vector<1x16xi32>,
          %get3A_277 = vector.shape_cast %get3A_276 : vector<1x16xi32> to vector<16xi32>
          %sub3A_278 = arith.subi %get3A_272, %get3A_277 : vector<16xi32>
          %get3A_279 = arith.index_cast %mul3A_266 : i32 to index
          %get3A_280 = tpu.vector_load %arg8[%get3A_279] {strides = array<i32>} : memref<800xi32, #tpu.memory_space<vmem>>, vector<16xi32>,
          %get3A_281 = vector.shape_cast %get3A_280 : vector<16xi32> to vector<16xi32>
          %mul3A_282 = arith.constant 16384 : i32
          %mul3A_283 = vector.broadcast %mul3A_282 : i32 to vector<16xi32>
          %mul3A_284 = arith.muli %get3A_281, %mul3A_283 : vector<16xi32>
          %add3A_285 = arith.addi %mul3A_284, %sub3A_278 : vector<16xi32>
          %get3A_286 = arith.constant 0 : i32
          %get3A_287 = arith.index_cast %get3A_286 : i32 to index
          %get3A_288 = arith.constant 0 : index
          %get3A_289 = tpu.vector_load %arg12[%get3A_287, %get3A_288] {strides = array<i32>} : memref<8x16xi32, #tpu.memory_space<vmem>>, vector<1x16xi32>,
          %get3A_290 = vector.shape_cast %get3A_289 : vector<1x16xi32> to vector<16xi32>
          %eq3A_291 = arith.cmpi eq, %get3A_269, %get3A_290 : vector<16xi32>
          %ge3A = arith.constant 0 : i32
          %ge3A_292 = vector.broadcast %ge3A : i32 to vector<16xi32>
          %ge3A_293 = arith.cmpi sge, %sub3A_278, %ge3A_292 : vector<16xi32>
          %and3A_294 = arith.andi %eq3A_291, %ge3A_293 : vector<16xi1>
          %lt3A = arith.constant 5120 : i32
          %lt3A_295 = vector.broadcast %lt3A : i32 to vector<16xi32>
          %lt3A_296 = arith.cmpi slt, %sub3A_278, %lt3A_295 : vector<16xi32>
          %and3A_297 = arith.andi %and3A_294, %lt3A_296 : vector<16xi1>
          %jit3A_298 = arith.constant 1 : i32
          %jit3A_299 = arith.constant 0 : i32
          %broadcast_in_dim3A_300 = vector.broadcast %jit3A_298 : i32 to vector<16xi32>
          %broadcast_in_dim3A_301 = vector.broadcast %jit3A_299 : i32 to vector<16xi32>
          %select_n3A_302 = arith.select %and3A_297, %broadcast_in_dim3A_300, %broadcast_in_dim3A_301 : vector<16xi1>, vector<16xi32>
          %sub3A_303 = arith.constant 1 : i32
          %sub3A_304 = vector.broadcast %sub3A_303 : i32 to vector<16xi32>
          %sub3A_305 = arith.subi %iota3A, %sub3A_304 : vector<16xi32>
          %max3A = arith.constant 0 : i32
          %max3A_306 = vector.broadcast %max3A : i32 to vector<16xi32>
          %max3A_307 = arith.maxsi %sub3A_305, %max3A_306 : vector<16xi32>
          %broadcast_in_dim3A_308 = vector.shape_cast %max3A_307 : vector<16xi32> to vector<16x1xi32>
          %gather3A = vector.shape_cast %broadcast_in_dim3A_308 : vector<16x1xi32> to vector<16xi32>
          %gather3A_309 = tpu.dynamic_gather %select_n3A_302[%gather3A] in [0] : vector<16xi32>, vector<16xi32> -> vector<16xi32>
          %ge3A_310 = arith.constant 1 : i32
          %ge3A_311 = vector.broadcast %ge3A_310 : i32 to vector<16xi32>
          %ge3A_312 = arith.cmpi sge, %iota3A, %ge3A_311 : vector<16xi32>
          %jit3A_313 = arith.constant 0 : i32
          %broadcast_in_dim3A_314 = vector.broadcast %jit3A_313 : i32 to vector<16xi32>
          %select_n3A_315 = arith.select %ge3A_312, %gather3A_309, %broadcast_in_dim3A_314 : vector<16xi1>, vector<16xi32>
          %add3A_316 = arith.addi %select_n3A_302, %select_n3A_315 : vector<16xi32>
          %sub3A_317 = arith.constant 2 : i32
          %sub3A_318 = vector.broadcast %sub3A_317 : i32 to vector<16xi32>
          %sub3A_319 = arith.subi %iota3A, %sub3A_318 : vector<16xi32>
          %max3A_320 = arith.constant 0 : i32
          %max3A_321 = vector.broadcast %max3A_320 : i32 to vector<16xi32>
          %max3A_322 = arith.maxsi %sub3A_319, %max3A_321 : vector<16xi32>
          %broadcast_in_dim3A_323 = vector.shape_cast %max3A_322 : vector<16xi32> to vector<16x1xi32>
          %gather3A_324 = vector.shape_cast %broadcast_in_dim3A_323 : vector<16x1xi32> to vector<16xi32>
          %gather3A_325 = tpu.dynamic_gather %add3A_316[%gather3A_324] in [0] : vector<16xi32>, vector<16xi32> -> vector<16xi32>
          %ge3A_326 = arith.constant 2 : i32
          %ge3A_327 = vector.broadcast %ge3A_326 : i32 to vector<16xi32>
          %ge3A_328 = arith.cmpi sge, %iota3A, %ge3A_327 : vector<16xi32>
          %jit3A_329 = arith.constant 0 : i32
          %broadcast_in_dim3A_330 = vector.broadcast %jit3A_329 : i32 to vector<16xi32>
          %select_n3A_331 = arith.select %ge3A_328, %gather3A_325, %broadcast_in_dim3A_330 : vector<16xi1>, vector<16xi32>
          %add3A_332 = arith.addi %add3A_316, %select_n3A_331 : vector<16xi32>
          %sub3A_333 = arith.constant 4 : i32
          %sub3A_334 = vector.broadcast %sub3A_333 : i32 to vector<16xi32>
          %sub3A_335 = arith.subi %iota3A, %sub3A_334 : vector<16xi32>
          %max3A_336 = arith.constant 0 : i32
          %max3A_337 = vector.broadcast %max3A_336 : i32 to vector<16xi32>
          %max3A_338 = arith.maxsi %sub3A_335, %max3A_337 : vector<16xi32>
          %broadcast_in_dim3A_339 = vector.shape_cast %max3A_338 : vector<16xi32> to vector<16x1xi32>
          %gather3A_340 = vector.shape_cast %broadcast_in_dim3A_339 : vector<16x1xi32> to vector<16xi32>
          %gather3A_341 = tpu.dynamic_gather %add3A_332[%gather3A_340] in [0] : vector<16xi32>, vector<16xi32> -> vector<16xi32>
          %ge3A_342 = arith.constant 4 : i32
          %ge3A_343 = vector.broadcast %ge3A_342 : i32 to vector<16xi32>
          %ge3A_344 = arith.cmpi sge, %iota3A, %ge3A_343 : vector<16xi32>
          %jit3A_345 = arith.constant 0 : i32
          %broadcast_in_dim3A_346 = vector.broadcast %jit3A_345 : i32 to vector<16xi32>
          %select_n3A_347 = arith.select %ge3A_344, %gather3A_341, %broadcast_in_dim3A_346 : vector<16xi1>, vector<16xi32>
          %add3A_348 = arith.addi %add3A_332, %select_n3A_347 : vector<16xi32>
          %sub3A_349 = arith.constant 8 : i32
          %sub3A_350 = vector.broadcast %sub3A_349 : i32 to vector<16xi32>
          %sub3A_351 = arith.subi %iota3A, %sub3A_350 : vector<16xi32>
          %max3A_352 = arith.constant 0 : i32
          %max3A_353 = vector.broadcast %max3A_352 : i32 to vector<16xi32>
          %max3A_354 = arith.maxsi %sub3A_351, %max3A_353 : vector<16xi32>
          %broadcast_in_dim3A_355 = vector.shape_cast %max3A_354 : vector<16xi32> to vector<16x1xi32>
          %gather3A_356 = vector.shape_cast %broadcast_in_dim3A_355 : vector<16x1xi32> to vector<16xi32>
          %gather3A_357 = tpu.dynamic_gather %add3A_348[%gather3A_356] in [0] : vector<16xi32>, vector<16xi32> -> vector<16xi32>
          %ge3A_358 = arith.constant 8 : i32
          %ge3A_359 = vector.broadcast %ge3A_358 : i32 to vector<16xi32>
          %ge3A_360 = arith.cmpi sge, %iota3A, %ge3A_359 : vector<16xi32>
          %jit3A_361 = arith.constant 0 : i32
          %broadcast_in_dim3A_362 = vector.broadcast %jit3A_361 : i32 to vector<16xi32>
          %select_n3A_363 = arith.select %ge3A_360, %gather3A_357, %broadcast_in_dim3A_362 : vector<16xi1>, vector<16xi32>
          %add3A_364 = arith.addi %add3A_348, %select_n3A_363 : vector<16xi32>
          %add3A_365 = arith.constant 1 : i32
          %add3A_366 = vector.broadcast %add3A_365 : i32 to vector<16xi32>
          %add3A_367 = arith.addi %iota3A, %add3A_366 : vector<16xi32>
          %broadcast_in_dim3A_368 = arith.constant 0 : i32
          %broadcast_in_dim3A_369 = vector.broadcast %broadcast_in_dim3A_368 : i32 to vector<16xi32>
          %add3A_370 = arith.constant 7 : i32
          %add3A_371 = vector.broadcast %add3A_370 : i32 to vector<16xi32>
          %add3A_372 = arith.addi %broadcast_in_dim3A_369, %add3A_371 : vector<16xi32>
          %min3A = arith.constant 15 : i32
          %min3A_373 = vector.broadcast %min3A : i32 to vector<16xi32>
          %min3A_374 = arith.minsi %add3A_372, %min3A_373 : vector<16xi32>
          %broadcast_in_dim3A_375 = vector.shape_cast %min3A_374 : vector<16xi32> to vector<16x1xi32>
          %gather3A_376 = vector.shape_cast %broadcast_in_dim3A_375 : vector<16x1xi32> to vector<16xi32>
          %gather3A_377 = tpu.dynamic_gather %add3A_364[%gather3A_376] in [0] : vector<16xi32>, vector<16xi32> -> vector<16xi32>
          %lt3A_378 = arith.cmpi slt, %gather3A_377, %add3A_367 : vector<16xi32>
          %jit3A_379 = arith.constant 8 : i32
          %jit3A_380 = arith.constant 0 : i32
          %broadcast_in_dim3A_381 = vector.broadcast %jit3A_379 : i32 to vector<16xi32>
          %broadcast_in_dim3A_382 = vector.broadcast %jit3A_380 : i32 to vector<16xi32>
          %select_n3A_383 = arith.select %lt3A_378, %broadcast_in_dim3A_381, %broadcast_in_dim3A_382 : vector<16xi1>, vector<16xi32>
          %add3A_384 = arith.addi %broadcast_in_dim3A_369, %select_n3A_383 : vector<16xi32>
          %add3A_385 = arith.constant 3 : i32
          %add3A_386 = vector.broadcast %add3A_385 : i32 to vector<16xi32>
          %add3A_387 = arith.addi %add3A_384, %add3A_386 : vector<16xi32>
          %min3A_388 = arith.constant 15 : i32
          %min3A_389 = vector.broadcast %min3A_388 : i32 to vector<16xi32>
          %min3A_390 = arith.minsi %add3A_387, %min3A_389 : vector<16xi32>
          %broadcast_in_dim3A_391 = vector.shape_cast %min3A_390 : vector<16xi32> to vector<16x1xi32>
          %gather3A_392 = vector.shape_cast %broadcast_in_dim3A_391 : vector<16x1xi32> to vector<16xi32>
          %gather3A_393 = tpu.dynamic_gather %add3A_364[%gather3A_392] in [0] : vector<16xi32>, vector<16xi32> -> vector<16xi32>
          %lt3A_394 = arith.cmpi slt, %gather3A_393, %add3A_367 : vector<16xi32>
          %jit3A_395 = arith.constant 4 : i32
          %jit3A_396 = arith.constant 0 : i32
          %broadcast_in_dim3A_397 = vector.broadcast %jit3A_395 : i32 to vector<16xi32>
          %broadcast_in_dim3A_398 = vector.broadcast %jit3A_396 : i32 to vector<16xi32>
          %select_n3A_399 = arith.select %lt3A_394, %broadcast_in_dim3A_397, %broadcast_in_dim3A_398 : vector<16xi1>, vector<16xi32>
          %add3A_400 = arith.addi %add3A_384, %select_n3A_399 : vector<16xi32>
          %add3A_401 = arith.constant 1 : i32
          %add3A_402 = vector.broadcast %add3A_401 : i32 to vector<16xi32>
          %add3A_403 = arith.addi %add3A_400, %add3A_402 : vector<16xi32>
          %min3A_404 = arith.constant 15 : i32
          %min3A_405 = vector.broadcast %min3A_404 : i32 to vector<16xi32>
          %min3A_406 = arith.minsi %add3A_403, %min3A_405 : vector<16xi32>
          %broadcast_in_dim3A_407 = vector.shape_cast %min3A_406 : vector<16xi32> to vector<16x1xi32>
          %gather3A_408 = vector.shape_cast %broadcast_in_dim3A_407 : vector<16x1xi32> to vector<16xi32>
          %gather3A_409 = tpu.dynamic_gather %add3A_364[%gather3A_408] in [0] : vector<16xi32>, vector<16xi32> -> vector<16xi32>
          %lt3A_410 = arith.cmpi slt, %gather3A_409, %add3A_367 : vector<16xi32>
          %jit3A_411 = arith.constant 2 : i32
          %jit3A_412 = arith.constant 0 : i32
          %broadcast_in_dim3A_413 = vector.broadcast %jit3A_411 : i32 to vector<16xi32>
          %broadcast_in_dim3A_414 = vector.broadcast %jit3A_412 : i32 to vector<16xi32>
          %select_n3A_415 = arith.select %lt3A_410, %broadcast_in_dim3A_413, %broadcast_in_dim3A_414 : vector<16xi1>, vector<16xi32>
          %add3A_416 = arith.addi %add3A_400, %select_n3A_415 : vector<16xi32>
          %add3A_417 = arith.constant 0 : i32
          %add3A_418 = vector.broadcast %add3A_417 : i32 to vector<16xi32>
          %add3A_419 = arith.addi %add3A_416, %add3A_418 : vector<16xi32>
          %min3A_420 = arith.constant 15 : i32
          %min3A_421 = vector.broadcast %min3A_420 : i32 to vector<16xi32>
          %min3A_422 = arith.minsi %add3A_419, %min3A_421 : vector<16xi32>
          %broadcast_in_dim3A_423 = vector.shape_cast %min3A_422 : vector<16xi32> to vector<16x1xi32>
          %gather3A_424 = vector.shape_cast %broadcast_in_dim3A_423 : vector<16x1xi32> to vector<16xi32>
          %gather3A_425 = tpu.dynamic_gather %add3A_364[%gather3A_424] in [0] : vector<16xi32>, vector<16xi32> -> vector<16xi32>
          %lt3A_426 = arith.cmpi slt, %gather3A_425, %add3A_367 : vector<16xi32>
          %jit3A_427 = arith.constant 1 : i32
          %jit3A_428 = arith.constant 0 : i32
          %broadcast_in_dim3A_429 = vector.broadcast %jit3A_427 : i32 to vector<16xi32>
          %broadcast_in_dim3A_430 = vector.broadcast %jit3A_428 : i32 to vector<16xi32>
          %select_n3A_431 = arith.select %lt3A_426, %broadcast_in_dim3A_429, %broadcast_in_dim3A_430 : vector<16xi1>, vector<16xi32>
          %add3A_432 = arith.addi %add3A_416, %select_n3A_431 : vector<16xi32>
          %broadcast_in_dim3A_433 = vector.shape_cast %add3A_432 : vector<16xi32> to vector<16x1xi32>
          %gather3A_434 = vector.shape_cast %broadcast_in_dim3A_433 : vector<16x1xi32> to vector<16xi32>
          %gather3A_435 = tpu.dynamic_gather %add3A_285[%gather3A_434] in [0] : vector<16xi32>, vector<16xi32> -> vector<16xi32>
          %swap3A_436 = arith.index_cast %scan3A_264 : i32 to index
          %swap3A_437 = tpu.vector_load %arg11[%swap3A_436] {strides = array<i32>} : memref<960xi32, #tpu.memory_space<vmem>>, vector<16xi32>,
          %swap3A_438 = vector.shape_cast %swap3A_437 : vector<16xi32> to vector<16xi32>
          %swap3A_439 = vector.shape_cast %gather3A_435 : vector<16xi32> to vector<16xi32>
          tpu.vector_store %arg11[%swap3A_436], %swap3A_439 {strides = array<i32>} : memref<960xi32, #tpu.memory_space<vmem>>, vector<16xi32>,
          %slice3A = vector.extract_strided_slice %add3A_364 {offsets = [15], sizes = [1], strides = [1]} : vector<16xi32> to vector<1xi32>
          %squeeze3A = vector.extract %slice3A[0] : i32 from vector<1xi32>
          %add3A_440 = arith.addi %scan3A_264, %squeeze3A : i32
          scf.yield %add3A_440 : i32
        }
        %scan3A_190 = arith.constant 50 : i32
        %jit3A_191 = arith.constant 64 : i32
        %div3A_192 = arith.divsi %scan3A_189, %jit3A_191 : i32
        %sign3A_193 = arith.constant 0 : i32
        %sign3A_194 = arith.cmpi sgt, %scan3A_189, %sign3A_193 : i32
        %sign3A_195 = arith.extui %sign3A_194 : i1 to i32
        %sign3A_196 = arith.constant 0 : i32
        %sign3A_197 = arith.cmpi slt, %scan3A_189, %sign3A_196 : i32
        %sign3A_198 = arith.extui %sign3A_197 : i1 to i32
        %sign3A_199 = arith.subi %sign3A_195, %sign3A_198 : i32
        %sign3A_200 = arith.constant 0 : i32
        %sign3A_201 = arith.cmpi sgt, %jit3A_191, %sign3A_200 : i32
        %sign3A_202 = arith.extui %sign3A_201 : i1 to i32
        %sign3A_203 = arith.constant 0 : i32
        %sign3A_204 = arith.cmpi slt, %jit3A_191, %sign3A_203 : i32
        %sign3A_205 = arith.extui %sign3A_204 : i1 to i32
        %sign3A_206 = arith.subi %sign3A_202, %sign3A_205 : i32
        %ne3A_207 = arith.cmpi ne, %sign3A_199, %sign3A_206 : i32
        %rem3A_208 = arith.remsi %scan3A_189, %jit3A_191 : i32
        %ne3A_209 = arith.constant 0 : i32
        %ne3A_210 = arith.cmpi ne, %rem3A_208, %ne3A_209 : i32
        %and3A_211 = arith.andi %ne3A_207, %ne3A_210 : i1
        %sub3A_212 = arith.constant 1 : i32
        %sub3A_213 = arith.subi %div3A_192, %sub3A_212 : i32
        %select_n3A_214 = arith.select %and3A_211, %sub3A_213, %div3A_192 : i32
        %while3A_215 = arith.constant 0 : i32
        %while3A_216 = arith.constant 0 : i32
        %while3A_217 = arith.subi %select_n3A_214, %while3A_216 : i32
        %while3A_218 = arith.addi %while3A_216, %while3A_217 : i32
        %while3A_219 = arith.constant 1 : i32
        %while3A_220 = arith.divsi %while3A_217, %while3A_219 : i32
        %while3A_221 = arith.muli %while3A_220, %while3A_219 : i32
        %while3A_222 = arith.addi %while3A_216, %while3A_221 : i32
        %while3A_223 = arith.constant 1 : i32
        scf.for %while3A_263 = %while3A_216 to %while3A_222 step %while3A_223  : i32 {
          %mul3A_264 = arith.constant 64 : i32
          %mul3A_265 = arith.muli %while3A_263, %mul3A_264 : i32
          %add3A_266 = arith.constant 0 : i32
          %add3A_267 = arith.addi %mul3A_265, %add3A_266 : i32
          %get3A_268 = arith.index_cast %add3A_267 : i32 to index
          %get3A_269 = tpu.vector_load %arg11[%get3A_268] {strides = array<i32>} : memref<960xi32, #tpu.memory_space<vmem>>, vector<16xi32>,
          %get3A_270 = vector.shape_cast %get3A_269 : vector<16xi32> to vector<16xi32>
          %shift_right_logical3A = arith.constant 14 : i32
          %shift_right_logical3A_271 = vector.broadcast %shift_right_logical3A : i32 to vector<16xi32>
          %shift_right_logical3A_272 = arith.shrui %get3A_270, %shift_right_logical3A_271 : vector<16xi32>
          %swap3A_273 = arith.constant 0 : i32
          %swap3A_274 = arith.index_cast %swap3A_273 : i32 to index
          %swap3A_275 = arith.constant 0 : index
          %swap3A_276 = tpu.vector_load %arg13[%swap3A_274, %swap3A_275] {strides = array<i32>} : memref<1x64xi32, #tpu.memory_space<vmem>>, vector<1x16xi32>,
          %swap3A_277 = vector.shape_cast %swap3A_276 : vector<1x16xi32> to vector<16xi32>
          %swap3A_278 = vector.shape_cast %shift_right_logical3A_272 : vector<16xi32> to vector<1x16xi32>
          tpu.vector_store %arg13[%swap3A_274, %swap3A_275], %swap3A_278 {strides = array<i32>} : memref<1x64xi32, #tpu.memory_space<vmem>>, vector<1x16xi32>,
          %and3A_279 = arith.constant 16383 : i32
          %and3A_280 = vector.broadcast %and3A_279 : i32 to vector<16xi32>
          %and3A_281 = arith.andi %get3A_270, %and3A_280 : vector<16xi32>
          %swap3A_282 = arith.constant 0 : i32
          %swap3A_283 = arith.index_cast %swap3A_282 : i32 to index
          %swap3A_284 = arith.constant 0 : index
          %swap3A_285 = tpu.vector_load %arg14[%swap3A_283, %swap3A_284] {strides = array<i32>} : memref<1x64xi32, #tpu.memory_space<vmem>>, vector<1x16xi32>,
          %swap3A_286 = vector.shape_cast %swap3A_285 : vector<1x16xi32> to vector<16xi32>
          %swap3A_287 = vector.shape_cast %and3A_281 : vector<16xi32> to vector<1x16xi32>
          tpu.vector_store %arg14[%swap3A_283, %swap3A_284], %swap3A_287 {strides = array<i32>} : memref<1x64xi32, #tpu.memory_space<vmem>>, vector<1x16xi32>,
          %add3A_288 = arith.constant 16 : i32
          %add3A_289 = arith.addi %mul3A_265, %add3A_288 : i32
          %get3A_290 = arith.index_cast %add3A_289 : i32 to index
          %get3A_291 = tpu.vector_load %arg11[%get3A_290] {strides = array<i32>} : memref<960xi32, #tpu.memory_space<vmem>>, vector<16xi32>,
          %get3A_292 = vector.shape_cast %get3A_291 : vector<16xi32> to vector<16xi32>
          %shift_right_logical3A_293 = arith.constant 14 : i32
          %shift_right_logical3A_294 = vector.broadcast %shift_right_logical3A_293 : i32 to vector<16xi32>
          %shift_right_logical3A_295 = arith.shrui %get3A_292, %shift_right_logical3A_294 : vector<16xi32>
          %swap3A_296 = arith.constant 0 : i32
          %swap3A_297 = arith.index_cast %swap3A_296 : i32 to index
          %swap3A_298 = arith.constant 16 : index
          %swap3A_299 = tpu.vector_load %arg13[%swap3A_297, %swap3A_298] {strides = array<i32>} : memref<1x64xi32, #tpu.memory_space<vmem>>, vector<1x16xi32>,
          %swap3A_300 = vector.shape_cast %swap3A_299 : vector<1x16xi32> to vector<16xi32>
          %swap3A_301 = vector.shape_cast %shift_right_logical3A_295 : vector<16xi32> to vector<1x16xi32>
          tpu.vector_store %arg13[%swap3A_297, %swap3A_298], %swap3A_301 {strides = array<i32>} : memref<1x64xi32, #tpu.memory_space<vmem>>, vector<1x16xi32>,
          %and3A_302 = arith.constant 16383 : i32
          %and3A_303 = vector.broadcast %and3A_302 : i32 to vector<16xi32>
          %and3A_304 = arith.andi %get3A_292, %and3A_303 : vector<16xi32>
          %swap3A_305 = arith.constant 0 : i32
          %swap3A_306 = arith.index_cast %swap3A_305 : i32 to index
          %swap3A_307 = arith.constant 16 : index
          %swap3A_308 = tpu.vector_load %arg14[%swap3A_306, %swap3A_307] {strides = array<i32>} : memref<1x64xi32, #tpu.memory_space<vmem>>, vector<1x16xi32>,
          %swap3A_309 = vector.shape_cast %swap3A_308 : vector<1x16xi32> to vector<16xi32>
          %swap3A_310 = vector.shape_cast %and3A_304 : vector<16xi32> to vector<1x16xi32>
          tpu.vector_store %arg14[%swap3A_306, %swap3A_307], %swap3A_310 {strides = array<i32>} : memref<1x64xi32, #tpu.memory_space<vmem>>, vector<1x16xi32>,
          %add3A_311 = arith.constant 32 : i32
          %add3A_312 = arith.addi %mul3A_265, %add3A_311 : i32
          %get3A_313 = arith.index_cast %add3A_312 : i32 to index
          %get3A_314 = tpu.vector_load %arg11[%get3A_313] {strides = array<i32>} : memref<960xi32, #tpu.memory_space<vmem>>, vector<16xi32>,
          %get3A_315 = vector.shape_cast %get3A_314 : vector<16xi32> to vector<16xi32>
          %shift_right_logical3A_316 = arith.constant 14 : i32
          %shift_right_logical3A_317 = vector.broadcast %shift_right_logical3A_316 : i32 to vector<16xi32>
          %shift_right_logical3A_318 = arith.shrui %get3A_315, %shift_right_logical3A_317 : vector<16xi32>
          %swap3A_319 = arith.constant 0 : i32
          %swap3A_320 = arith.index_cast %swap3A_319 : i32 to index
          %swap3A_321 = arith.constant 32 : index
          %swap3A_322 = tpu.vector_load %arg13[%swap3A_320, %swap3A_321] {strides = array<i32>} : memref<1x64xi32, #tpu.memory_space<vmem>>, vector<1x16xi32>,
          %swap3A_323 = vector.shape_cast %swap3A_322 : vector<1x16xi32> to vector<16xi32>
          %swap3A_324 = vector.shape_cast %shift_right_logical3A_318 : vector<16xi32> to vector<1x16xi32>
          tpu.vector_store %arg13[%swap3A_320, %swap3A_321], %swap3A_324 {strides = array<i32>} : memref<1x64xi32, #tpu.memory_space<vmem>>, vector<1x16xi32>,
          %and3A_325 = arith.constant 16383 : i32
          %and3A_326 = vector.broadcast %and3A_325 : i32 to vector<16xi32>
          %and3A_327 = arith.andi %get3A_315, %and3A_326 : vector<16xi32>
          %swap3A_328 = arith.constant 0 : i32
          %swap3A_329 = arith.index_cast %swap3A_328 : i32 to index
          %swap3A_330 = arith.constant 32 : index
          %swap3A_331 = tpu.vector_load %arg14[%swap3A_329, %swap3A_330] {strides = array<i32>} : memref<1x64xi32, #tpu.memory_space<vmem>>, vector<1x16xi32>,
          %swap3A_332 = vector.shape_cast %swap3A_331 : vector<1x16xi32> to vector<16xi32>
          %swap3A_333 = vector.shape_cast %and3A_327 : vector<16xi32> to vector<1x16xi32>
          tpu.vector_store %arg14[%swap3A_329, %swap3A_330], %swap3A_333 {strides = array<i32>} : memref<1x64xi32, #tpu.memory_space<vmem>>, vector<1x16xi32>,
          %add3A_334 = arith.constant 48 : i32
          %add3A_335 = arith.addi %mul3A_265, %add3A_334 : i32
          %get3A_336 = arith.index_cast %add3A_335 : i32 to index
          %get3A_337 = tpu.vector_load %arg11[%get3A_336] {strides = array<i32>} : memref<960xi32, #tpu.memory_space<vmem>>, vector<16xi32>,
          %get3A_338 = vector.shape_cast %get3A_337 : vector<16xi32> to vector<16xi32>
          %shift_right_logical3A_339 = arith.constant 14 : i32
          %shift_right_logical3A_340 = vector.broadcast %shift_right_logical3A_339 : i32 to vector<16xi32>
          %shift_right_logical3A_341 = arith.shrui %get3A_338, %shift_right_logical3A_340 : vector<16xi32>
          %swap3A_342 = arith.constant 0 : i32
          %swap3A_343 = arith.index_cast %swap3A_342 : i32 to index
          %swap3A_344 = arith.constant 48 : index
          %swap3A_345 = tpu.vector_load %arg13[%swap3A_343, %swap3A_344] {strides = array<i32>} : memref<1x64xi32, #tpu.memory_space<vmem>>, vector<1x16xi32>,
          %swap3A_346 = vector.shape_cast %swap3A_345 : vector<1x16xi32> to vector<16xi32>
          %swap3A_347 = vector.shape_cast %shift_right_logical3A_341 : vector<16xi32> to vector<1x16xi32>
          tpu.vector_store %arg13[%swap3A_343, %swap3A_344], %swap3A_347 {strides = array<i32>} : memref<1x64xi32, #tpu.memory_space<vmem>>, vector<1x16xi32>,
          %and3A_348 = arith.constant 16383 : i32
          %and3A_349 = vector.broadcast %and3A_348 : i32 to vector<16xi32>
          %and3A_350 = arith.andi %get3A_338, %and3A_349 : vector<16xi32>
          %swap3A_351 = arith.constant 0 : i32
          %swap3A_352 = arith.index_cast %swap3A_351 : i32 to index
          %swap3A_353 = arith.constant 48 : index
          %swap3A_354 = tpu.vector_load %arg14[%swap3A_352, %swap3A_353] {strides = array<i32>} : memref<1x64xi32, #tpu.memory_space<vmem>>, vector<1x16xi32>,
          %swap3A_355 = vector.shape_cast %swap3A_354 : vector<1x16xi32> to vector<16xi32>
          %swap3A_356 = vector.shape_cast %and3A_350 : vector<16xi32> to vector<1x16xi32>
          tpu.vector_store %arg14[%swap3A_352, %swap3A_353], %swap3A_356 {strides = array<i32>} : memref<1x64xi32, #tpu.memory_space<vmem>>, vector<1x16xi32>,
          %dma_start3A = arith.constant 0 : i32
          %dma_start3A_357 = arith.constant 0 : i32
          %dma_start3A_358 = tpu.memref_slice %arg13[%dma_start3A, %dma_start3A_357] : memref<1x64xi32, #tpu.memory_space<vmem>> -> memref<1x64xi32, #tpu.memory_space<vmem>>
          %dma_start3A_359 = tpu.memref_squeeze %dma_start3A_358 : memref<1x64xi32, #tpu.memory_space<vmem>> -> memref<64xi32, #tpu.memory_space<vmem>>
          %dma_start3A_360 = arith.constant 0 : i32
          %dma_start3A_361 = arith.constant 0 : i32
          %dma_start3A_362 = tpu.memref_slice %arg5[%dma_start3A_360, %dma_start3A_361] : memref<10240x144xf32, #tpu.memory_space<hbm>> -> memref<10240x144xf32, #tpu.memory_space<hbm>>
          tpu.enqueue_indirect_dma source(%dma_start3A_362 : memref<10240x144xf32, #tpu.memory_space<hbm>>) target(%arg15 : memref<64x144xf32, #tpu.memory_space<vmem>>) offsets(%dma_start3A_359 : memref<64xi32, #tpu.memory_space<vmem>>) semaphore(%arg17 : memref<!tpu.dma_semaphore, #tpu.memory_space<semaphore_mem>>)
          %dma_wait3A = arith.constant 0 : i32
          %dma_wait3A_363 = arith.constant 0 : i32
          %dma_wait3A_364 = tpu.memref_slice %arg13[%dma_wait3A, %dma_wait3A_363] : memref<1x64xi32, #tpu.memory_space<vmem>> -> memref<1x64xi32, #tpu.memory_space<vmem>>
          %dma_wait3A_365 = tpu.memref_squeeze %dma_wait3A_364 : memref<1x64xi32, #tpu.memory_space<vmem>> -> memref<64xi32, #tpu.memory_space<vmem>>
          %dma_wait3A_366 = arith.constant 0 : i32
          %dma_wait3A_367 = arith.constant 0 : i32
          %dma_wait3A_368 = tpu.memref_slice %arg5[%dma_wait3A_366, %dma_wait3A_367] : memref<10240x144xf32, #tpu.memory_space<hbm>> -> memref<10240x144xf32, #tpu.memory_space<hbm>>
          tpu.wait_indirect_dma semaphore(%arg17 : memref<!tpu.dma_semaphore, #tpu.memory_space<semaphore_mem>>) src(%dma_wait3A_368 : memref<10240x144xf32, #tpu.memory_space<hbm>>) dst(%arg15 : memref<64x144xf32, #tpu.memory_space<vmem>>)
          %run_scoped3A = arith.constant 0 : i32
          "tpu.region"() ({
            %run_scoped3A_369 = tpu.sem_alloc : memref<!tpu.dma_semaphore, #tpu.memory_space<semaphore_mem>>
            %dma_start3A_370 = arith.constant 0 : i32
            %dma_start3A_371 = tpu.memref_slice %arg14[%run_scoped3A, %dma_start3A_370] : memref<1x64xi32, #tpu.memory_space<vmem>> -> memref<1x64xi32, #tpu.memory_space<vmem>>
            %dma_start3A_372 = tpu.memref_squeeze %dma_start3A_371 : memref<1x64xi32, #tpu.memory_space<vmem>> -> memref<64xi32, #tpu.memory_space<vmem>>
            %dma_start3A_373 = arith.constant 0 : i32
            %dma_start3A_374 = arith.constant 0 : i32
            %dma_start3A_375 = tpu.memref_slice %arg16[%dma_start3A_373, %dma_start3A_374] : memref<5128x144xf32, #tpu.memory_space<vmem_shared>> -> memref<5128x144xf32, #tpu.memory_space<vmem_shared>>
            tpu.enqueue_indirect_dma source(%arg15 : memref<64x144xf32, #tpu.memory_space<vmem>>) target(%dma_start3A_375 : memref<5128x144xf32, #tpu.memory_space<vmem_shared>>) offsets(%dma_start3A_372 : memref<64xi32, #tpu.memory_space<vmem>>) semaphore(%run_scoped3A_369 : memref<!tpu.dma_semaphore, #tpu.memory_space<semaphore_mem>>) {add = true}
            %dma_wait3A_376 = arith.constant 0 : i32
            %dma_wait3A_377 = tpu.memref_slice %arg14[%run_scoped3A, %dma_wait3A_376] : memref<1x64xi32, #tpu.memory_space<vmem>> -> memref<1x64xi32, #tpu.memory_space<vmem>>
            %dma_wait3A_378 = tpu.memref_squeeze %dma_wait3A_377 : memref<1x64xi32, #tpu.memory_space<vmem>> -> memref<64xi32, #tpu.memory_space<vmem>>
            %dma_wait3A_379 = arith.constant 0 : i32
            %dma_wait3A_380 = arith.constant 0 : i32
            %dma_wait3A_381 = tpu.memref_slice %arg16[%dma_wait3A_379, %dma_wait3A_380] : memref<5128x144xf32, #tpu.memory_space<vmem_shared>> -> memref<5128x144xf32, #tpu.memory_space<vmem_shared>>
            tpu.wait_indirect_dma semaphore(%run_scoped3A_369 : memref<!tpu.dma_semaphore, #tpu.memory_space<semaphore_mem>>) src(%arg15 : memref<64x144xf32, #tpu.memory_space<vmem>>) dst(%dma_wait3A_381 : memref<5128x144xf32, #tpu.memory_space<vmem_shared>>)
            tpu.yield
          }) : () -> ()
        }
        %while3A_224 = arith.constant 1 : i32
        scf.for %while3A_263 = %while3A_222 to %while3A_218 step %while3A_224  : i32 {
          %mul3A_264 = arith.constant 64 : i32
          %mul3A_265 = arith.muli %while3A_263, %mul3A_264 : i32
          %add3A_266 = arith.constant 0 : i32
          %add3A_267 = arith.addi %mul3A_265, %add3A_266 : i32
          %get3A_268 = arith.index_cast %add3A_267 : i32 to index
          %get3A_269 = tpu.vector_load %arg11[%get3A_268] {strides = array<i32>} : memref<960xi32, #tpu.memory_space<vmem>>, vector<16xi32>,
          %get3A_270 = vector.shape_cast %get3A_269 : vector<16xi32> to vector<16xi32>
          %shift_right_logical3A = arith.constant 14 : i32
          %shift_right_logical3A_271 = vector.broadcast %shift_right_logical3A : i32 to vector<16xi32>
          %shift_right_logical3A_272 = arith.shrui %get3A_270, %shift_right_logical3A_271 : vector<16xi32>
          %swap3A_273 = arith.constant 0 : i32
          %swap3A_274 = arith.index_cast %swap3A_273 : i32 to index
          %swap3A_275 = arith.constant 0 : index
          %swap3A_276 = tpu.vector_load %arg13[%swap3A_274, %swap3A_275] {strides = array<i32>} : memref<1x64xi32, #tpu.memory_space<vmem>>, vector<1x16xi32>,
          %swap3A_277 = vector.shape_cast %swap3A_276 : vector<1x16xi32> to vector<16xi32>
          %swap3A_278 = vector.shape_cast %shift_right_logical3A_272 : vector<16xi32> to vector<1x16xi32>
          tpu.vector_store %arg13[%swap3A_274, %swap3A_275], %swap3A_278 {strides = array<i32>} : memref<1x64xi32, #tpu.memory_space<vmem>>, vector<1x16xi32>,
          %and3A_279 = arith.constant 16383 : i32
          %and3A_280 = vector.broadcast %and3A_279 : i32 to vector<16xi32>
          %and3A_281 = arith.andi %get3A_270, %and3A_280 : vector<16xi32>
          %swap3A_282 = arith.constant 0 : i32
          %swap3A_283 = arith.index_cast %swap3A_282 : i32 to index
          %swap3A_284 = arith.constant 0 : index
          %swap3A_285 = tpu.vector_load %arg14[%swap3A_283, %swap3A_284] {strides = array<i32>} : memref<1x64xi32, #tpu.memory_space<vmem>>, vector<1x16xi32>,
          %swap3A_286 = vector.shape_cast %swap3A_285 : vector<1x16xi32> to vector<16xi32>
          %swap3A_287 = vector.shape_cast %and3A_281 : vector<16xi32> to vector<1x16xi32>
          tpu.vector_store %arg14[%swap3A_283, %swap3A_284], %swap3A_287 {strides = array<i32>} : memref<1x64xi32, #tpu.memory_space<vmem>>, vector<1x16xi32>,
          %add3A_288 = arith.constant 16 : i32
          %add3A_289 = arith.addi %mul3A_265, %add3A_288 : i32
          %get3A_290 = arith.index_cast %add3A_289 : i32 to index
          %get3A_291 = tpu.vector_load %arg11[%get3A_290] {strides = array<i32>} : memref<960xi32, #tpu.memory_space<vmem>>, vector<16xi32>,
          %get3A_292 = vector.shape_cast %get3A_291 : vector<16xi32> to vector<16xi32>
          %shift_right_logical3A_293 = arith.constant 14 : i32
          %shift_right_logical3A_294 = vector.broadcast %shift_right_logical3A_293 : i32 to vector<16xi32>
          %shift_right_logical3A_295 = arith.shrui %get3A_292, %shift_right_logical3A_294 : vector<16xi32>
          %swap3A_296 = arith.constant 0 : i32
          %swap3A_297 = arith.index_cast %swap3A_296 : i32 to index
          %swap3A_298 = arith.constant 16 : index
          %swap3A_299 = tpu.vector_load %arg13[%swap3A_297, %swap3A_298] {strides = array<i32>} : memref<1x64xi32, #tpu.memory_space<vmem>>, vector<1x16xi32>,
          %swap3A_300 = vector.shape_cast %swap3A_299 : vector<1x16xi32> to vector<16xi32>
          %swap3A_301 = vector.shape_cast %shift_right_logical3A_295 : vector<16xi32> to vector<1x16xi32>
          tpu.vector_store %arg13[%swap3A_297, %swap3A_298], %swap3A_301 {strides = array<i32>} : memref<1x64xi32, #tpu.memory_space<vmem>>, vector<1x16xi32>,
          %and3A_302 = arith.constant 16383 : i32
          %and3A_303 = vector.broadcast %and3A_302 : i32 to vector<16xi32>
          %and3A_304 = arith.andi %get3A_292, %and3A_303 : vector<16xi32>
          %swap3A_305 = arith.constant 0 : i32
          %swap3A_306 = arith.index_cast %swap3A_305 : i32 to index
          %swap3A_307 = arith.constant 16 : index
          %swap3A_308 = tpu.vector_load %arg14[%swap3A_306, %swap3A_307] {strides = array<i32>} : memref<1x64xi32, #tpu.memory_space<vmem>>, vector<1x16xi32>,
          %swap3A_309 = vector.shape_cast %swap3A_308 : vector<1x16xi32> to vector<16xi32>
          %swap3A_310 = vector.shape_cast %and3A_304 : vector<16xi32> to vector<1x16xi32>
          tpu.vector_store %arg14[%swap3A_306, %swap3A_307], %swap3A_310 {strides = array<i32>} : memref<1x64xi32, #tpu.memory_space<vmem>>, vector<1x16xi32>,
          %add3A_311 = arith.constant 32 : i32
          %add3A_312 = arith.addi %mul3A_265, %add3A_311 : i32
          %get3A_313 = arith.index_cast %add3A_312 : i32 to index
          %get3A_314 = tpu.vector_load %arg11[%get3A_313] {strides = array<i32>} : memref<960xi32, #tpu.memory_space<vmem>>, vector<16xi32>,
          %get3A_315 = vector.shape_cast %get3A_314 : vector<16xi32> to vector<16xi32>
          %shift_right_logical3A_316 = arith.constant 14 : i32
          %shift_right_logical3A_317 = vector.broadcast %shift_right_logical3A_316 : i32 to vector<16xi32>
          %shift_right_logical3A_318 = arith.shrui %get3A_315, %shift_right_logical3A_317 : vector<16xi32>
          %swap3A_319 = arith.constant 0 : i32
          %swap3A_320 = arith.index_cast %swap3A_319 : i32 to index
          %swap3A_321 = arith.constant 32 : index
          %swap3A_322 = tpu.vector_load %arg13[%swap3A_320, %swap3A_321] {strides = array<i32>} : memref<1x64xi32, #tpu.memory_space<vmem>>, vector<1x16xi32>,
          %swap3A_323 = vector.shape_cast %swap3A_322 : vector<1x16xi32> to vector<16xi32>
          %swap3A_324 = vector.shape_cast %shift_right_logical3A_318 : vector<16xi32> to vector<1x16xi32>
          tpu.vector_store %arg13[%swap3A_320, %swap3A_321], %swap3A_324 {strides = array<i32>} : memref<1x64xi32, #tpu.memory_space<vmem>>, vector<1x16xi32>,
          %and3A_325 = arith.constant 16383 : i32
          %and3A_326 = vector.broadcast %and3A_325 : i32 to vector<16xi32>
          %and3A_327 = arith.andi %get3A_315, %and3A_326 : vector<16xi32>
          %swap3A_328 = arith.constant 0 : i32
          %swap3A_329 = arith.index_cast %swap3A_328 : i32 to index
          %swap3A_330 = arith.constant 32 : index
          %swap3A_331 = tpu.vector_load %arg14[%swap3A_329, %swap3A_330] {strides = array<i32>} : memref<1x64xi32, #tpu.memory_space<vmem>>, vector<1x16xi32>,
          %swap3A_332 = vector.shape_cast %swap3A_331 : vector<1x16xi32> to vector<16xi32>
          %swap3A_333 = vector.shape_cast %and3A_327 : vector<16xi32> to vector<1x16xi32>
          tpu.vector_store %arg14[%swap3A_329, %swap3A_330], %swap3A_333 {strides = array<i32>} : memref<1x64xi32, #tpu.memory_space<vmem>>, vector<1x16xi32>,
          %add3A_334 = arith.constant 48 : i32
          %add3A_335 = arith.addi %mul3A_265, %add3A_334 : i32
          %get3A_336 = arith.index_cast %add3A_335 : i32 to index
          %get3A_337 = tpu.vector_load %arg11[%get3A_336] {strides = array<i32>} : memref<960xi32, #tpu.memory_space<vmem>>, vector<16xi32>,
          %get3A_338 = vector.shape_cast %get3A_337 : vector<16xi32> to vector<16xi32>
          %shift_right_logical3A_339 = arith.constant 14 : i32
          %shift_right_logical3A_340 = vector.broadcast %shift_right_logical3A_339 : i32 to vector<16xi32>
          %shift_right_logical3A_341 = arith.shrui %get3A_338, %shift_right_logical3A_340 : vector<16xi32>
          %swap3A_342 = arith.constant 0 : i32
          %swap3A_343 = arith.index_cast %swap3A_342 : i32 to index
          %swap3A_344 = arith.constant 48 : index
          %swap3A_345 = tpu.vector_load %arg13[%swap3A_343, %swap3A_344] {strides = array<i32>} : memref<1x64xi32, #tpu.memory_space<vmem>>, vector<1x16xi32>,
          %swap3A_346 = vector.shape_cast %swap3A_345 : vector<1x16xi32> to vector<16xi32>
          %swap3A_347 = vector.shape_cast %shift_right_logical3A_341 : vector<16xi32> to vector<1x16xi32>
          tpu.vector_store %arg13[%swap3A_343, %swap3A_344], %swap3A_347 {strides = array<i32>} : memref<1x64xi32, #tpu.memory_space<vmem>>, vector<1x16xi32>,
          %and3A_348 = arith.constant 16383 : i32
          %and3A_349 = vector.broadcast %and3A_348 : i32 to vector<16xi32>
          %and3A_350 = arith.andi %get3A_338, %and3A_349 : vector<16xi32>
          %swap3A_351 = arith.constant 0 : i32
          %swap3A_352 = arith.index_cast %swap3A_351 : i32 to index
          %swap3A_353 = arith.constant 48 : index
          %swap3A_354 = tpu.vector_load %arg14[%swap3A_352, %swap3A_353] {strides = array<i32>} : memref<1x64xi32, #tpu.memory_space<vmem>>, vector<1x16xi32>,
          %swap3A_355 = vector.shape_cast %swap3A_354 : vector<1x16xi32> to vector<16xi32>
          %swap3A_356 = vector.shape_cast %and3A_350 : vector<16xi32> to vector<1x16xi32>
          tpu.vector_store %arg14[%swap3A_352, %swap3A_353], %swap3A_356 {strides = array<i32>} : memref<1x64xi32, #tpu.memory_space<vmem>>, vector<1x16xi32>,
          %dma_start3A = arith.constant 0 : i32
          %dma_start3A_357 = arith.constant 0 : i32
          %dma_start3A_358 = tpu.memref_slice %arg13[%dma_start3A, %dma_start3A_357] : memref<1x64xi32, #tpu.memory_space<vmem>> -> memref<1x64xi32, #tpu.memory_space<vmem>>
          %dma_start3A_359 = tpu.memref_squeeze %dma_start3A_358 : memref<1x64xi32, #tpu.memory_space<vmem>> -> memref<64xi32, #tpu.memory_space<vmem>>
          %dma_start3A_360 = arith.constant 0 : i32
          %dma_start3A_361 = arith.constant 0 : i32
          %dma_start3A_362 = tpu.memref_slice %arg5[%dma_start3A_360, %dma_start3A_361] : memref<10240x144xf32, #tpu.memory_space<hbm>> -> memref<10240x144xf32, #tpu.memory_space<hbm>>
          tpu.enqueue_indirect_dma source(%dma_start3A_362 : memref<10240x144xf32, #tpu.memory_space<hbm>>) target(%arg15 : memref<64x144xf32, #tpu.memory_space<vmem>>) offsets(%dma_start3A_359 : memref<64xi32, #tpu.memory_space<vmem>>) semaphore(%arg17 : memref<!tpu.dma_semaphore, #tpu.memory_space<semaphore_mem>>)
          %dma_wait3A = arith.constant 0 : i32
          %dma_wait3A_363 = arith.constant 0 : i32
          %dma_wait3A_364 = tpu.memref_slice %arg13[%dma_wait3A, %dma_wait3A_363] : memref<1x64xi32, #tpu.memory_space<vmem>> -> memref<1x64xi32, #tpu.memory_space<vmem>>
          %dma_wait3A_365 = tpu.memref_squeeze %dma_wait3A_364 : memref<1x64xi32, #tpu.memory_space<vmem>> -> memref<64xi32, #tpu.memory_space<vmem>>
          %dma_wait3A_366 = arith.constant 0 : i32
          %dma_wait3A_367 = arith.constant 0 : i32
          %dma_wait3A_368 = tpu.memref_slice %arg5[%dma_wait3A_366, %dma_wait3A_367] : memref<10240x144xf32, #tpu.memory_space<hbm>> -> memref<10240x144xf32, #tpu.memory_space<hbm>>
          tpu.wait_indirect_dma semaphore(%arg17 : memref<!tpu.dma_semaphore, #tpu.memory_space<semaphore_mem>>) src(%dma_wait3A_368 : memref<10240x144xf32, #tpu.memory_space<hbm>>) dst(%arg15 : memref<64x144xf32, #tpu.memory_space<vmem>>)
          %run_scoped3A = arith.constant 0 : i32
          "tpu.region"() ({
            %run_scoped3A_369 = tpu.sem_alloc : memref<!tpu.dma_semaphore, #tpu.memory_space<semaphore_mem>>
            %dma_start3A_370 = arith.constant 0 : i32
            %dma_start3A_371 = tpu.memref_slice %arg14[%run_scoped3A, %dma_start3A_370] : memref<1x64xi32, #tpu.memory_space<vmem>> -> memref<1x64xi32, #tpu.memory_space<vmem>>
            %dma_start3A_372 = tpu.memref_squeeze %dma_start3A_371 : memref<1x64xi32, #tpu.memory_space<vmem>> -> memref<64xi32, #tpu.memory_space<vmem>>
            %dma_start3A_373 = arith.constant 0 : i32
            %dma_start3A_374 = arith.constant 0 : i32
            %dma_start3A_375 = tpu.memref_slice %arg16[%dma_start3A_373, %dma_start3A_374] : memref<5128x144xf32, #tpu.memory_space<vmem_shared>> -> memref<5128x144xf32, #tpu.memory_space<vmem_shared>>
            tpu.enqueue_indirect_dma source(%arg15 : memref<64x144xf32, #tpu.memory_space<vmem>>) target(%dma_start3A_375 : memref<5128x144xf32, #tpu.memory_space<vmem_shared>>) offsets(%dma_start3A_372 : memref<64xi32, #tpu.memory_space<vmem>>) semaphore(%run_scoped3A_369 : memref<!tpu.dma_semaphore, #tpu.memory_space<semaphore_mem>>) {add = true}
            %dma_wait3A_376 = arith.constant 0 : i32
            %dma_wait3A_377 = tpu.memref_slice %arg14[%run_scoped3A, %dma_wait3A_376] : memref<1x64xi32, #tpu.memory_space<vmem>> -> memref<1x64xi32, #tpu.memory_space<vmem>>
            %dma_wait3A_378 = tpu.memref_squeeze %dma_wait3A_377 : memref<1x64xi32, #tpu.memory_space<vmem>> -> memref<64xi32, #tpu.memory_space<vmem>>
            %dma_wait3A_379 = arith.constant 0 : i32
            %dma_wait3A_380 = arith.constant 0 : i32
            %dma_wait3A_381 = tpu.memref_slice %arg16[%dma_wait3A_379, %dma_wait3A_380] : memref<5128x144xf32, #tpu.memory_space<vmem_shared>> -> memref<5128x144xf32, #tpu.memory_space<vmem_shared>>
            tpu.wait_indirect_dma semaphore(%run_scoped3A_369 : memref<!tpu.dma_semaphore, #tpu.memory_space<semaphore_mem>>) src(%arg15 : memref<64x144xf32, #tpu.memory_space<vmem>>) dst(%dma_wait3A_381 : memref<5128x144xf32, #tpu.memory_space<vmem_shared>>)
            tpu.yield
          }) : () -> ()
        }
        %mul3A_225 = arith.constant 64 : i32
        %mul3A_226 = arith.muli %select_n3A_214, %mul3A_225 : i32
        %add3A_227 = arith.constant 0 : i32
        %add3A_228 = arith.addi %mul3A_226, %add3A_227 : i32
        %get3A = arith.index_cast %add3A_228 : i32 to index
        %get3A_229 = tpu.vector_load %arg11[%get3A] {strides = array<i32>} : memref<960xi32, #tpu.memory_space<vmem>>, vector<16xi32>,
        %get3A_230 = vector.shape_cast %get3A_229 : vector<16xi32> to vector<16xi32>
        %swap3A_231 = arith.constant 0 : index
        %swap3A_232 = tpu.vector_load %arg11[%swap3A_231] {strides = array<i32>} : memref<960xi32, #tpu.memory_space<vmem>>, vector<16xi32>,
        %swap3A_233 = vector.shape_cast %swap3A_232 : vector<16xi32> to vector<16xi32>
        %swap3A_234 = vector.shape_cast %get3A_230 : vector<16xi32> to vector<16xi32>
        tpu.vector_store %arg11[%swap3A_231], %swap3A_234 {strides = array<i32>} : memref<960xi32, #tpu.memory_space<vmem>>, vector<16xi32>,
        %add3A_235 = arith.constant 16 : i32
        %add3A_236 = arith.addi %mul3A_226, %add3A_235 : i32
        %get3A_237 = arith.index_cast %add3A_236 : i32 to index
        %get3A_238 = tpu.vector_load %arg11[%get3A_237] {strides = array<i32>} : memref<960xi32, #tpu.memory_space<vmem>>, vector<16xi32>,
        %get3A_239 = vector.shape_cast %get3A_238 : vector<16xi32> to vector<16xi32>
        %swap3A_240 = arith.constant 16 : index
        %swap3A_241 = tpu.vector_load %arg11[%swap3A_240] {strides = array<i32>} : memref<960xi32, #tpu.memory_space<vmem>>, vector<16xi32>,
        %swap3A_242 = vector.shape_cast %swap3A_241 : vector<16xi32> to vector<16xi32>
        %swap3A_243 = vector.shape_cast %get3A_239 : vector<16xi32> to vector<16xi32>
        tpu.vector_store %arg11[%swap3A_240], %swap3A_243 {strides = array<i32>} : memref<960xi32, #tpu.memory_space<vmem>>, vector<16xi32>,
        %add3A_244 = arith.constant 32 : i32
        %add3A_245 = arith.addi %mul3A_226, %add3A_244 : i32
        %get3A_246 = arith.index_cast %add3A_245 : i32 to index
        %get3A_247 = tpu.vector_load %arg11[%get3A_246] {strides = array<i32>} : memref<960xi32, #tpu.memory_space<vmem>>, vector<16xi32>,
        %get3A_248 = vector.shape_cast %get3A_247 : vector<16xi32> to vector<16xi32>
        %swap3A_249 = arith.constant 32 : index
        %swap3A_250 = tpu.vector_load %arg11[%swap3A_249] {strides = array<i32>} : memref<960xi32, #tpu.memory_space<vmem>>, vector<16xi32>,
        %swap3A_251 = vector.shape_cast %swap3A_250 : vector<16xi32> to vector<16xi32>
        %swap3A_252 = vector.shape_cast %get3A_248 : vector<16xi32> to vector<16xi32>
        tpu.vector_store %arg11[%swap3A_249], %swap3A_252 {strides = array<i32>} : memref<960xi32, #tpu.memory_space<vmem>>, vector<16xi32>,
        %add3A_253 = arith.constant 48 : i32
        %add3A_254 = arith.addi %mul3A_226, %add3A_253 : i32
        %get3A_255 = arith.index_cast %add3A_254 : i32 to index
        %get3A_256 = tpu.vector_load %arg11[%get3A_255] {strides = array<i32>} : memref<960xi32, #tpu.memory_space<vmem>>, vector<16xi32>,
        %get3A_257 = vector.shape_cast %get3A_256 : vector<16xi32> to vector<16xi32>
        %swap3A_258 = arith.constant 48 : index
        %swap3A_259 = tpu.vector_load %arg11[%swap3A_258] {strides = array<i32>} : memref<960xi32, #tpu.memory_space<vmem>>, vector<16xi32>,
        %swap3A_260 = vector.shape_cast %swap3A_259 : vector<16xi32> to vector<16xi32>
        %swap3A_261 = vector.shape_cast %get3A_257 : vector<16xi32> to vector<16xi32>
        tpu.vector_store %arg11[%swap3A_258], %swap3A_261 {strides = array<i32>} : memref<960xi32, #tpu.memory_space<vmem>>, vector<16xi32>,
        %sub3A_262 = arith.subi %scan3A_189, %mul3A_226 : i32
        scf.yield %sub3A_262 : i32
      }
      %scan3A_41 = arith.constant 25 : i32
      %add3A_42 = arith.constant 0 : i32
      %add3A_43 = arith.addi %scan3A_40, %add3A_42 : i32
      %swap3A = arith.index_cast %add3A_43 : i32 to index
      %swap3A_44 = tpu.vector_load %arg11[%swap3A] {strides = array<i32>} : memref<960xi32, #tpu.memory_space<vmem>>, vector<16xi32>,
      %swap3A_45 = vector.shape_cast %swap3A_44 : vector<16xi32> to vector<16xi32>
      %swap3A_46 = vector.shape_cast %broadcast_in_dim3A_8 : vector<16xi32> to vector<16xi32>
      tpu.vector_store %arg11[%swap3A], %swap3A_46 {strides = array<i32>} : memref<960xi32, #tpu.memory_space<vmem>>, vector<16xi32>,
      %add3A_47 = arith.constant 16 : i32
      %add3A_48 = arith.addi %scan3A_40, %add3A_47 : i32
      %swap3A_49 = arith.index_cast %add3A_48 : i32 to index
      %swap3A_50 = tpu.vector_load %arg11[%swap3A_49] {strides = array<i32>} : memref<960xi32, #tpu.memory_space<vmem>>, vector<16xi32>,
      %swap3A_51 = vector.shape_cast %swap3A_50 : vector<16xi32> to vector<16xi32>
      %swap3A_52 = vector.shape_cast %broadcast_in_dim3A_8 : vector<16xi32> to vector<16xi32>
      tpu.vector_store %arg11[%swap3A_49], %swap3A_52 {strides = array<i32>} : memref<960xi32, #tpu.memory_space<vmem>>, vector<16xi32>,
      %add3A_53 = arith.constant 32 : i32
      %add3A_54 = arith.addi %scan3A_40, %add3A_53 : i32
      %swap3A_55 = arith.index_cast %add3A_54 : i32 to index
      %swap3A_56 = tpu.vector_load %arg11[%swap3A_55] {strides = array<i32>} : memref<960xi32, #tpu.memory_space<vmem>>, vector<16xi32>,
      %swap3A_57 = vector.shape_cast %swap3A_56 : vector<16xi32> to vector<16xi32>
      %swap3A_58 = vector.shape_cast %broadcast_in_dim3A_8 : vector<16xi32> to vector<16xi32>
      tpu.vector_store %arg11[%swap3A_55], %swap3A_58 {strides = array<i32>} : memref<960xi32, #tpu.memory_space<vmem>>, vector<16xi32>,
      %add3A_59 = arith.constant 48 : i32
      %add3A_60 = arith.addi %scan3A_40, %add3A_59 : i32
      %swap3A_61 = arith.index_cast %add3A_60 : i32 to index
      %swap3A_62 = tpu.vector_load %arg11[%swap3A_61] {strides = array<i32>} : memref<960xi32, #tpu.memory_space<vmem>>, vector<16xi32>,
      %swap3A_63 = vector.shape_cast %swap3A_62 : vector<16xi32> to vector<16xi32>
      %swap3A_64 = vector.shape_cast %broadcast_in_dim3A_8 : vector<16xi32> to vector<16xi32>
      tpu.vector_store %arg11[%swap3A_61], %swap3A_64 {strides = array<i32>} : memref<960xi32, #tpu.memory_space<vmem>>, vector<16xi32>,
      %add3A_65 = arith.constant 64 : i32
      %add3A_66 = arith.addi %scan3A_40, %add3A_65 : i32
      %sub3A = arith.constant 1 : i32
      %sub3A_67 = arith.subi %add3A_66, %sub3A : i32
      %jit3A_68 = arith.constant 64 : i32
      %div3A = arith.divsi %sub3A_67, %jit3A_68 : i32
      %sign3A = arith.constant 0 : i32
      %sign3A_69 = arith.cmpi sgt, %sub3A_67, %sign3A : i32
      %sign3A_70 = arith.extui %sign3A_69 : i1 to i32
      %sign3A_71 = arith.constant 0 : i32
      %sign3A_72 = arith.cmpi slt, %sub3A_67, %sign3A_71 : i32
      %sign3A_73 = arith.extui %sign3A_72 : i1 to i32
      %sign3A_74 = arith.subi %sign3A_70, %sign3A_73 : i32
      %sign3A_75 = arith.constant 0 : i32
      %sign3A_76 = arith.cmpi sgt, %jit3A_68, %sign3A_75 : i32
      %sign3A_77 = arith.extui %sign3A_76 : i1 to i32
      %sign3A_78 = arith.constant 0 : i32
      %sign3A_79 = arith.cmpi slt, %jit3A_68, %sign3A_78 : i32
      %sign3A_80 = arith.extui %sign3A_79 : i1 to i32
      %sign3A_81 = arith.subi %sign3A_77, %sign3A_80 : i32
      %ne3A = arith.cmpi ne, %sign3A_74, %sign3A_81 : i32
      %rem3A = arith.remsi %sub3A_67, %jit3A_68 : i32
      %ne3A_82 = arith.constant 0 : i32
      %ne3A_83 = arith.cmpi ne, %rem3A, %ne3A_82 : i32
      %and3A = arith.andi %ne3A, %ne3A_83 : i1
      %sub3A_84 = arith.constant 1 : i32
      %sub3A_85 = arith.subi %div3A, %sub3A_84 : i32
      %select_n3A_86 = arith.select %and3A, %sub3A_85, %div3A : i32
      %while3A = arith.constant 0 : i32
      %while3A_87 = arith.constant 0 : i32
      %while3A_88 = arith.subi %select_n3A_86, %while3A_87 : i32
      %while3A_89 = arith.addi %while3A_87, %while3A_88 : i32
      %while3A_90 = arith.constant 1 : i32
      %while3A_91 = arith.divsi %while3A_88, %while3A_90 : i32
      %while3A_92 = arith.muli %while3A_91, %while3A_90 : i32
      %while3A_93 = arith.addi %while3A_87, %while3A_92 : i32
      %while3A_94 = arith.constant 1 : i32
      scf.for %while3A_178 = %while3A_87 to %while3A_93 step %while3A_94  : i32 {
        %mul3A_179 = arith.constant 64 : i32
        %mul3A_180 = arith.muli %while3A_178, %mul3A_179 : i32
        %add3A_181 = arith.constant 0 : i32
        %add3A_182 = arith.addi %mul3A_180, %add3A_181 : i32
        %get3A = arith.index_cast %add3A_182 : i32 to index
        %get3A_183 = tpu.vector_load %arg11[%get3A] {strides = array<i32>} : memref<960xi32, #tpu.memory_space<vmem>>, vector<16xi32>,
        %get3A_184 = vector.shape_cast %get3A_183 : vector<16xi32> to vector<16xi32>
        %shift_right_logical3A = arith.constant 14 : i32
        %shift_right_logical3A_185 = vector.broadcast %shift_right_logical3A : i32 to vector<16xi32>
        %shift_right_logical3A_186 = arith.shrui %get3A_184, %shift_right_logical3A_185 : vector<16xi32>
        %swap3A_187 = arith.constant 0 : i32
        %swap3A_188 = arith.index_cast %swap3A_187 : i32 to index
        %swap3A_189 = arith.constant 0 : index
        %swap3A_190 = tpu.vector_load %arg13[%swap3A_188, %swap3A_189] {strides = array<i32>} : memref<1x64xi32, #tpu.memory_space<vmem>>, vector<1x16xi32>,
        %swap3A_191 = vector.shape_cast %swap3A_190 : vector<1x16xi32> to vector<16xi32>
        %swap3A_192 = vector.shape_cast %shift_right_logical3A_186 : vector<16xi32> to vector<1x16xi32>
        tpu.vector_store %arg13[%swap3A_188, %swap3A_189], %swap3A_192 {strides = array<i32>} : memref<1x64xi32, #tpu.memory_space<vmem>>, vector<1x16xi32>,
        %and3A_193 = arith.constant 16383 : i32
        %and3A_194 = vector.broadcast %and3A_193 : i32 to vector<16xi32>
        %and3A_195 = arith.andi %get3A_184, %and3A_194 : vector<16xi32>
        %swap3A_196 = arith.constant 0 : i32
        %swap3A_197 = arith.index_cast %swap3A_196 : i32 to index
        %swap3A_198 = arith.constant 0 : index
        %swap3A_199 = tpu.vector_load %arg14[%swap3A_197, %swap3A_198] {strides = array<i32>} : memref<1x64xi32, #tpu.memory_space<vmem>>, vector<1x16xi32>,
        %swap3A_200 = vector.shape_cast %swap3A_199 : vector<1x16xi32> to vector<16xi32>
        %swap3A_201 = vector.shape_cast %and3A_195 : vector<16xi32> to vector<1x16xi32>
        tpu.vector_store %arg14[%swap3A_197, %swap3A_198], %swap3A_201 {strides = array<i32>} : memref<1x64xi32, #tpu.memory_space<vmem>>, vector<1x16xi32>,
        %add3A_202 = arith.constant 16 : i32
        %add3A_203 = arith.addi %mul3A_180, %add3A_202 : i32
        %get3A_204 = arith.index_cast %add3A_203 : i32 to index
        %get3A_205 = tpu.vector_load %arg11[%get3A_204] {strides = array<i32>} : memref<960xi32, #tpu.memory_space<vmem>>, vector<16xi32>,
        %get3A_206 = vector.shape_cast %get3A_205 : vector<16xi32> to vector<16xi32>
        %shift_right_logical3A_207 = arith.constant 14 : i32
        %shift_right_logical3A_208 = vector.broadcast %shift_right_logical3A_207 : i32 to vector<16xi32>
        %shift_right_logical3A_209 = arith.shrui %get3A_206, %shift_right_logical3A_208 : vector<16xi32>
        %swap3A_210 = arith.constant 0 : i32
        %swap3A_211 = arith.index_cast %swap3A_210 : i32 to index
        %swap3A_212 = arith.constant 16 : index
        %swap3A_213 = tpu.vector_load %arg13[%swap3A_211, %swap3A_212] {strides = array<i32>} : memref<1x64xi32, #tpu.memory_space<vmem>>, vector<1x16xi32>,
        %swap3A_214 = vector.shape_cast %swap3A_213 : vector<1x16xi32> to vector<16xi32>
        %swap3A_215 = vector.shape_cast %shift_right_logical3A_209 : vector<16xi32> to vector<1x16xi32>
        tpu.vector_store %arg13[%swap3A_211, %swap3A_212], %swap3A_215 {strides = array<i32>} : memref<1x64xi32, #tpu.memory_space<vmem>>, vector<1x16xi32>,
        %and3A_216 = arith.constant 16383 : i32
        %and3A_217 = vector.broadcast %and3A_216 : i32 to vector<16xi32>
        %and3A_218 = arith.andi %get3A_206, %and3A_217 : vector<16xi32>
        %swap3A_219 = arith.constant 0 : i32
        %swap3A_220 = arith.index_cast %swap3A_219 : i32 to index
        %swap3A_221 = arith.constant 16 : index
        %swap3A_222 = tpu.vector_load %arg14[%swap3A_220, %swap3A_221] {strides = array<i32>} : memref<1x64xi32, #tpu.memory_space<vmem>>, vector<1x16xi32>,
        %swap3A_223 = vector.shape_cast %swap3A_222 : vector<1x16xi32> to vector<16xi32>
        %swap3A_224 = vector.shape_cast %and3A_218 : vector<16xi32> to vector<1x16xi32>
        tpu.vector_store %arg14[%swap3A_220, %swap3A_221], %swap3A_224 {strides = array<i32>} : memref<1x64xi32, #tpu.memory_space<vmem>>, vector<1x16xi32>,
        %add3A_225 = arith.constant 32 : i32
        %add3A_226 = arith.addi %mul3A_180, %add3A_225 : i32
        %get3A_227 = arith.index_cast %add3A_226 : i32 to index
        %get3A_228 = tpu.vector_load %arg11[%get3A_227] {strides = array<i32>} : memref<960xi32, #tpu.memory_space<vmem>>, vector<16xi32>,
        %get3A_229 = vector.shape_cast %get3A_228 : vector<16xi32> to vector<16xi32>
        %shift_right_logical3A_230 = arith.constant 14 : i32
        %shift_right_logical3A_231 = vector.broadcast %shift_right_logical3A_230 : i32 to vector<16xi32>
        %shift_right_logical3A_232 = arith.shrui %get3A_229, %shift_right_logical3A_231 : vector<16xi32>
        %swap3A_233 = arith.constant 0 : i32
        %swap3A_234 = arith.index_cast %swap3A_233 : i32 to index
        %swap3A_235 = arith.constant 32 : index
        %swap3A_236 = tpu.vector_load %arg13[%swap3A_234, %swap3A_235] {strides = array<i32>} : memref<1x64xi32, #tpu.memory_space<vmem>>, vector<1x16xi32>,
        %swap3A_237 = vector.shape_cast %swap3A_236 : vector<1x16xi32> to vector<16xi32>
        %swap3A_238 = vector.shape_cast %shift_right_logical3A_232 : vector<16xi32> to vector<1x16xi32>
        tpu.vector_store %arg13[%swap3A_234, %swap3A_235], %swap3A_238 {strides = array<i32>} : memref<1x64xi32, #tpu.memory_space<vmem>>, vector<1x16xi32>,
        %and3A_239 = arith.constant 16383 : i32
        %and3A_240 = vector.broadcast %and3A_239 : i32 to vector<16xi32>
        %and3A_241 = arith.andi %get3A_229, %and3A_240 : vector<16xi32>
        %swap3A_242 = arith.constant 0 : i32
        %swap3A_243 = arith.index_cast %swap3A_242 : i32 to index
        %swap3A_244 = arith.constant 32 : index
        %swap3A_245 = tpu.vector_load %arg14[%swap3A_243, %swap3A_244] {strides = array<i32>} : memref<1x64xi32, #tpu.memory_space<vmem>>, vector<1x16xi32>,
        %swap3A_246 = vector.shape_cast %swap3A_245 : vector<1x16xi32> to vector<16xi32>
        %swap3A_247 = vector.shape_cast %and3A_241 : vector<16xi32> to vector<1x16xi32>
        tpu.vector_store %arg14[%swap3A_243, %swap3A_244], %swap3A_247 {strides = array<i32>} : memref<1x64xi32, #tpu.memory_space<vmem>>, vector<1x16xi32>,
        %add3A_248 = arith.constant 48 : i32
        %add3A_249 = arith.addi %mul3A_180, %add3A_248 : i32
        %get3A_250 = arith.index_cast %add3A_249 : i32 to index
        %get3A_251 = tpu.vector_load %arg11[%get3A_250] {strides = array<i32>} : memref<960xi32, #tpu.memory_space<vmem>>, vector<16xi32>,
        %get3A_252 = vector.shape_cast %get3A_251 : vector<16xi32> to vector<16xi32>
        %shift_right_logical3A_253 = arith.constant 14 : i32
        %shift_right_logical3A_254 = vector.broadcast %shift_right_logical3A_253 : i32 to vector<16xi32>
        %shift_right_logical3A_255 = arith.shrui %get3A_252, %shift_right_logical3A_254 : vector<16xi32>
        %swap3A_256 = arith.constant 0 : i32
        %swap3A_257 = arith.index_cast %swap3A_256 : i32 to index
        %swap3A_258 = arith.constant 48 : index
        %swap3A_259 = tpu.vector_load %arg13[%swap3A_257, %swap3A_258] {strides = array<i32>} : memref<1x64xi32, #tpu.memory_space<vmem>>, vector<1x16xi32>,
        %swap3A_260 = vector.shape_cast %swap3A_259 : vector<1x16xi32> to vector<16xi32>
        %swap3A_261 = vector.shape_cast %shift_right_logical3A_255 : vector<16xi32> to vector<1x16xi32>
        tpu.vector_store %arg13[%swap3A_257, %swap3A_258], %swap3A_261 {strides = array<i32>} : memref<1x64xi32, #tpu.memory_space<vmem>>, vector<1x16xi32>,
        %and3A_262 = arith.constant 16383 : i32
        %and3A_263 = vector.broadcast %and3A_262 : i32 to vector<16xi32>
        %and3A_264 = arith.andi %get3A_252, %and3A_263 : vector<16xi32>
        %swap3A_265 = arith.constant 0 : i32
        %swap3A_266 = arith.index_cast %swap3A_265 : i32 to index
        %swap3A_267 = arith.constant 48 : index
        %swap3A_268 = tpu.vector_load %arg14[%swap3A_266, %swap3A_267] {strides = array<i32>} : memref<1x64xi32, #tpu.memory_space<vmem>>, vector<1x16xi32>,
        %swap3A_269 = vector.shape_cast %swap3A_268 : vector<1x16xi32> to vector<16xi32>
        %swap3A_270 = vector.shape_cast %and3A_264 : vector<16xi32> to vector<1x16xi32>
        tpu.vector_store %arg14[%swap3A_266, %swap3A_267], %swap3A_270 {strides = array<i32>} : memref<1x64xi32, #tpu.memory_space<vmem>>, vector<1x16xi32>,
        %dma_start3A = arith.constant 0 : i32
        %dma_start3A_271 = arith.constant 0 : i32
        %dma_start3A_272 = tpu.memref_slice %arg13[%dma_start3A, %dma_start3A_271] : memref<1x64xi32, #tpu.memory_space<vmem>> -> memref<1x64xi32, #tpu.memory_space<vmem>>
        %dma_start3A_273 = tpu.memref_squeeze %dma_start3A_272 : memref<1x64xi32, #tpu.memory_space<vmem>> -> memref<64xi32, #tpu.memory_space<vmem>>
        %dma_start3A_274 = arith.constant 0 : i32
        %dma_start3A_275 = arith.constant 0 : i32
        %dma_start3A_276 = tpu.memref_slice %arg5[%dma_start3A_274, %dma_start3A_275] : memref<10240x144xf32, #tpu.memory_space<hbm>> -> memref<10240x144xf32, #tpu.memory_space<hbm>>
        tpu.enqueue_indirect_dma source(%dma_start3A_276 : memref<10240x144xf32, #tpu.memory_space<hbm>>) target(%arg15 : memref<64x144xf32, #tpu.memory_space<vmem>>) offsets(%dma_start3A_273 : memref<64xi32, #tpu.memory_space<vmem>>) semaphore(%arg17 : memref<!tpu.dma_semaphore, #tpu.memory_space<semaphore_mem>>)
        %dma_wait3A = arith.constant 0 : i32
        %dma_wait3A_277 = arith.constant 0 : i32
        %dma_wait3A_278 = tpu.memref_slice %arg13[%dma_wait3A, %dma_wait3A_277] : memref<1x64xi32, #tpu.memory_space<vmem>> -> memref<1x64xi32, #tpu.memory_space<vmem>>
        %dma_wait3A_279 = tpu.memref_squeeze %dma_wait3A_278 : memref<1x64xi32, #tpu.memory_space<vmem>> -> memref<64xi32, #tpu.memory_space<vmem>>
        %dma_wait3A_280 = arith.constant 0 : i32
        %dma_wait3A_281 = arith.constant 0 : i32
        %dma_wait3A_282 = tpu.memref_slice %arg5[%dma_wait3A_280, %dma_wait3A_281] : memref<10240x144xf32, #tpu.memory_space<hbm>> -> memref<10240x144xf32, #tpu.memory_space<hbm>>
        tpu.wait_indirect_dma semaphore(%arg17 : memref<!tpu.dma_semaphore, #tpu.memory_space<semaphore_mem>>) src(%dma_wait3A_282 : memref<10240x144xf32, #tpu.memory_space<hbm>>) dst(%arg15 : memref<64x144xf32, #tpu.memory_space<vmem>>)
        %run_scoped3A = arith.constant 0 : i32
        "tpu.region"() ({
          %run_scoped3A_283 = tpu.sem_alloc : memref<!tpu.dma_semaphore, #tpu.memory_space<semaphore_mem>>
          %dma_start3A_284 = arith.constant 0 : i32
          %dma_start3A_285 = tpu.memref_slice %arg14[%run_scoped3A, %dma_start3A_284] : memref<1x64xi32, #tpu.memory_space<vmem>> -> memref<1x64xi32, #tpu.memory_space<vmem>>
          %dma_start3A_286 = tpu.memref_squeeze %dma_start3A_285 : memref<1x64xi32, #tpu.memory_space<vmem>> -> memref<64xi32, #tpu.memory_space<vmem>>
          %dma_start3A_287 = arith.constant 0 : i32
          %dma_start3A_288 = arith.constant 0 : i32
          %dma_start3A_289 = tpu.memref_slice %arg16[%dma_start3A_287, %dma_start3A_288] : memref<5128x144xf32, #tpu.memory_space<vmem_shared>> -> memref<5128x144xf32, #tpu.memory_space<vmem_shared>>
          tpu.enqueue_indirect_dma source(%arg15 : memref<64x144xf32, #tpu.memory_space<vmem>>) target(%dma_start3A_289 : memref<5128x144xf32, #tpu.memory_space<vmem_shared>>) offsets(%dma_start3A_286 : memref<64xi32, #tpu.memory_space<vmem>>) semaphore(%run_scoped3A_283 : memref<!tpu.dma_semaphore, #tpu.memory_space<semaphore_mem>>) {add = true}
          %dma_wait3A_290 = arith.constant 0 : i32
          %dma_wait3A_291 = tpu.memref_slice %arg14[%run_scoped3A, %dma_wait3A_290] : memref<1x64xi32, #tpu.memory_space<vmem>> -> memref<1x64xi32, #tpu.memory_space<vmem>>
          %dma_wait3A_292 = tpu.memref_squeeze %dma_wait3A_291 : memref<1x64xi32, #tpu.memory_space<vmem>> -> memref<64xi32, #tpu.memory_space<vmem>>
          %dma_wait3A_293 = arith.constant 0 : i32
          %dma_wait3A_294 = arith.constant 0 : i32
          %dma_wait3A_295 = tpu.memref_slice %arg16[%dma_wait3A_293, %dma_wait3A_294] : memref<5128x144xf32, #tpu.memory_space<vmem_shared>> -> memref<5128x144xf32, #tpu.memory_space<vmem_shared>>
          tpu.wait_indirect_dma semaphore(%run_scoped3A_283 : memref<!tpu.dma_semaphore, #tpu.memory_space<semaphore_mem>>) src(%arg15 : memref<64x144xf32, #tpu.memory_space<vmem>>) dst(%dma_wait3A_295 : memref<5128x144xf32, #tpu.memory_space<vmem_shared>>)
          tpu.yield
        }) : () -> ()
      }
      %while3A_95 = arith.constant 1 : i32
      scf.for %while3A_178 = %while3A_93 to %while3A_89 step %while3A_95  : i32 {
        %mul3A_179 = arith.constant 64 : i32
        %mul3A_180 = arith.muli %while3A_178, %mul3A_179 : i32
        %add3A_181 = arith.constant 0 : i32
        %add3A_182 = arith.addi %mul3A_180, %add3A_181 : i32
        %get3A = arith.index_cast %add3A_182 : i32 to index
        %get3A_183 = tpu.vector_load %arg11[%get3A] {strides = array<i32>} : memref<960xi32, #tpu.memory_space<vmem>>, vector<16xi32>,
        %get3A_184 = vector.shape_cast %get3A_183 : vector<16xi32> to vector<16xi32>
        %shift_right_logical3A = arith.constant 14 : i32
        %shift_right_logical3A_185 = vector.broadcast %shift_right_logical3A : i32 to vector<16xi32>
        %shift_right_logical3A_186 = arith.shrui %get3A_184, %shift_right_logical3A_185 : vector<16xi32>
        %swap3A_187 = arith.constant 0 : i32
        %swap3A_188 = arith.index_cast %swap3A_187 : i32 to index
        %swap3A_189 = arith.constant 0 : index
        %swap3A_190 = tpu.vector_load %arg13[%swap3A_188, %swap3A_189] {strides = array<i32>} : memref<1x64xi32, #tpu.memory_space<vmem>>, vector<1x16xi32>,
        %swap3A_191 = vector.shape_cast %swap3A_190 : vector<1x16xi32> to vector<16xi32>
        %swap3A_192 = vector.shape_cast %shift_right_logical3A_186 : vector<16xi32> to vector<1x16xi32>
        tpu.vector_store %arg13[%swap3A_188, %swap3A_189], %swap3A_192 {strides = array<i32>} : memref<1x64xi32, #tpu.memory_space<vmem>>, vector<1x16xi32>,
        %and3A_193 = arith.constant 16383 : i32
        %and3A_194 = vector.broadcast %and3A_193 : i32 to vector<16xi32>
        %and3A_195 = arith.andi %get3A_184, %and3A_194 : vector<16xi32>
        %swap3A_196 = arith.constant 0 : i32
        %swap3A_197 = arith.index_cast %swap3A_196 : i32 to index
        %swap3A_198 = arith.constant 0 : index
        %swap3A_199 = tpu.vector_load %arg14[%swap3A_197, %swap3A_198] {strides = array<i32>} : memref<1x64xi32, #tpu.memory_space<vmem>>, vector<1x16xi32>,
        %swap3A_200 = vector.shape_cast %swap3A_199 : vector<1x16xi32> to vector<16xi32>
        %swap3A_201 = vector.shape_cast %and3A_195 : vector<16xi32> to vector<1x16xi32>
        tpu.vector_store %arg14[%swap3A_197, %swap3A_198], %swap3A_201 {strides = array<i32>} : memref<1x64xi32, #tpu.memory_space<vmem>>, vector<1x16xi32>,
        %add3A_202 = arith.constant 16 : i32
        %add3A_203 = arith.addi %mul3A_180, %add3A_202 : i32
        %get3A_204 = arith.index_cast %add3A_203 : i32 to index
        %get3A_205 = tpu.vector_load %arg11[%get3A_204] {strides = array<i32>} : memref<960xi32, #tpu.memory_space<vmem>>, vector<16xi32>,
        %get3A_206 = vector.shape_cast %get3A_205 : vector<16xi32> to vector<16xi32>
        %shift_right_logical3A_207 = arith.constant 14 : i32
        %shift_right_logical3A_208 = vector.broadcast %shift_right_logical3A_207 : i32 to vector<16xi32>
        %shift_right_logical3A_209 = arith.shrui %get3A_206, %shift_right_logical3A_208 : vector<16xi32>
        %swap3A_210 = arith.constant 0 : i32
        %swap3A_211 = arith.index_cast %swap3A_210 : i32 to index
        %swap3A_212 = arith.constant 16 : index
        %swap3A_213 = tpu.vector_load %arg13[%swap3A_211, %swap3A_212] {strides = array<i32>} : memref<1x64xi32, #tpu.memory_space<vmem>>, vector<1x16xi32>,
        %swap3A_214 = vector.shape_cast %swap3A_213 : vector<1x16xi32> to vector<16xi32>
        %swap3A_215 = vector.shape_cast %shift_right_logical3A_209 : vector<16xi32> to vector<1x16xi32>
        tpu.vector_store %arg13[%swap3A_211, %swap3A_212], %swap3A_215 {strides = array<i32>} : memref<1x64xi32, #tpu.memory_space<vmem>>, vector<1x16xi32>,
        %and3A_216 = arith.constant 16383 : i32
        %and3A_217 = vector.broadcast %and3A_216 : i32 to vector<16xi32>
        %and3A_218 = arith.andi %get3A_206, %and3A_217 : vector<16xi32>
        %swap3A_219 = arith.constant 0 : i32
        %swap3A_220 = arith.index_cast %swap3A_219 : i32 to index
        %swap3A_221 = arith.constant 16 : index
        %swap3A_222 = tpu.vector_load %arg14[%swap3A_220, %swap3A_221] {strides = array<i32>} : memref<1x64xi32, #tpu.memory_space<vmem>>, vector<1x16xi32>,
        %swap3A_223 = vector.shape_cast %swap3A_222 : vector<1x16xi32> to vector<16xi32>
        %swap3A_224 = vector.shape_cast %and3A_218 : vector<16xi32> to vector<1x16xi32>
        tpu.vector_store %arg14[%swap3A_220, %swap3A_221], %swap3A_224 {strides = array<i32>} : memref<1x64xi32, #tpu.memory_space<vmem>>, vector<1x16xi32>,
        %add3A_225 = arith.constant 32 : i32
        %add3A_226 = arith.addi %mul3A_180, %add3A_225 : i32
        %get3A_227 = arith.index_cast %add3A_226 : i32 to index
        %get3A_228 = tpu.vector_load %arg11[%get3A_227] {strides = array<i32>} : memref<960xi32, #tpu.memory_space<vmem>>, vector<16xi32>,
        %get3A_229 = vector.shape_cast %get3A_228 : vector<16xi32> to vector<16xi32>
        %shift_right_logical3A_230 = arith.constant 14 : i32
        %shift_right_logical3A_231 = vector.broadcast %shift_right_logical3A_230 : i32 to vector<16xi32>
        %shift_right_logical3A_232 = arith.shrui %get3A_229, %shift_right_logical3A_231 : vector<16xi32>
        %swap3A_233 = arith.constant 0 : i32
        %swap3A_234 = arith.index_cast %swap3A_233 : i32 to index
        %swap3A_235 = arith.constant 32 : index
        %swap3A_236 = tpu.vector_load %arg13[%swap3A_234, %swap3A_235] {strides = array<i32>} : memref<1x64xi32, #tpu.memory_space<vmem>>, vector<1x16xi32>,
        %swap3A_237 = vector.shape_cast %swap3A_236 : vector<1x16xi32> to vector<16xi32>
        %swap3A_238 = vector.shape_cast %shift_right_logical3A_232 : vector<16xi32> to vector<1x16xi32>
        tpu.vector_store %arg13[%swap3A_234, %swap3A_235], %swap3A_238 {strides = array<i32>} : memref<1x64xi32, #tpu.memory_space<vmem>>, vector<1x16xi32>,
        %and3A_239 = arith.constant 16383 : i32
        %and3A_240 = vector.broadcast %and3A_239 : i32 to vector<16xi32>
        %and3A_241 = arith.andi %get3A_229, %and3A_240 : vector<16xi32>
        %swap3A_242 = arith.constant 0 : i32
        %swap3A_243 = arith.index_cast %swap3A_242 : i32 to index
        %swap3A_244 = arith.constant 32 : index
        %swap3A_245 = tpu.vector_load %arg14[%swap3A_243, %swap3A_244] {strides = array<i32>} : memref<1x64xi32, #tpu.memory_space<vmem>>, vector<1x16xi32>,
        %swap3A_246 = vector.shape_cast %swap3A_245 : vector<1x16xi32> to vector<16xi32>
        %swap3A_247 = vector.shape_cast %and3A_241 : vector<16xi32> to vector<1x16xi32>
        tpu.vector_store %arg14[%swap3A_243, %swap3A_244], %swap3A_247 {strides = array<i32>} : memref<1x64xi32, #tpu.memory_space<vmem>>, vector<1x16xi32>,
        %add3A_248 = arith.constant 48 : i32
        %add3A_249 = arith.addi %mul3A_180, %add3A_248 : i32
        %get3A_250 = arith.index_cast %add3A_249 : i32 to index
        %get3A_251 = tpu.vector_load %arg11[%get3A_250] {strides = array<i32>} : memref<960xi32, #tpu.memory_space<vmem>>, vector<16xi32>,
        %get3A_252 = vector.shape_cast %get3A_251 : vector<16xi32> to vector<16xi32>
        %shift_right_logical3A_253 = arith.constant 14 : i32
        %shift_right_logical3A_254 = vector.broadcast %shift_right_logical3A_253 : i32 to vector<16xi32>
        %shift_right_logical3A_255 = arith.shrui %get3A_252, %shift_right_logical3A_254 : vector<16xi32>
        %swap3A_256 = arith.constant 0 : i32
        %swap3A_257 = arith.index_cast %swap3A_256 : i32 to index
        %swap3A_258 = arith.constant 48 : index
        %swap3A_259 = tpu.vector_load %arg13[%swap3A_257, %swap3A_258] {strides = array<i32>} : memref<1x64xi32, #tpu.memory_space<vmem>>, vector<1x16xi32>,
        %swap3A_260 = vector.shape_cast %swap3A_259 : vector<1x16xi32> to vector<16xi32>
        %swap3A_261 = vector.shape_cast %shift_right_logical3A_255 : vector<16xi32> to vector<1x16xi32>
        tpu.vector_store %arg13[%swap3A_257, %swap3A_258], %swap3A_261 {strides = array<i32>} : memref<1x64xi32, #tpu.memory_space<vmem>>, vector<1x16xi32>,
        %and3A_262 = arith.constant 16383 : i32
        %and3A_263 = vector.broadcast %and3A_262 : i32 to vector<16xi32>
        %and3A_264 = arith.andi %get3A_252, %and3A_263 : vector<16xi32>
        %swap3A_265 = arith.constant 0 : i32
        %swap3A_266 = arith.index_cast %swap3A_265 : i32 to index
        %swap3A_267 = arith.constant 48 : index
        %swap3A_268 = tpu.vector_load %arg14[%swap3A_266, %swap3A_267] {strides = array<i32>} : memref<1x64xi32, #tpu.memory_space<vmem>>, vector<1x16xi32>,
        %swap3A_269 = vector.shape_cast %swap3A_268 : vector<1x16xi32> to vector<16xi32>
        %swap3A_270 = vector.shape_cast %and3A_264 : vector<16xi32> to vector<1x16xi32>
        tpu.vector_store %arg14[%swap3A_266, %swap3A_267], %swap3A_270 {strides = array<i32>} : memref<1x64xi32, #tpu.memory_space<vmem>>, vector<1x16xi32>,
        %dma_start3A = arith.constant 0 : i32
        %dma_start3A_271 = arith.constant 0 : i32
        %dma_start3A_272 = tpu.memref_slice %arg13[%dma_start3A, %dma_start3A_271] : memref<1x64xi32, #tpu.memory_space<vmem>> -> memref<1x64xi32, #tpu.memory_space<vmem>>
        %dma_start3A_273 = tpu.memref_squeeze %dma_start3A_272 : memref<1x64xi32, #tpu.memory_space<vmem>> -> memref<64xi32, #tpu.memory_space<vmem>>
        %dma_start3A_274 = arith.constant 0 : i32
        %dma_start3A_275 = arith.constant 0 : i32
        %dma_start3A_276 = tpu.memref_slice %arg5[%dma_start3A_274, %dma_start3A_275] : memref<10240x144xf32, #tpu.memory_space<hbm>> -> memref<10240x144xf32, #tpu.memory_space<hbm>>
        tpu.enqueue_indirect_dma source(%dma_start3A_276 : memref<10240x144xf32, #tpu.memory_space<hbm>>) target(%arg15 : memref<64x144xf32, #tpu.memory_space<vmem>>) offsets(%dma_start3A_273 : memref<64xi32, #tpu.memory_space<vmem>>) semaphore(%arg17 : memref<!tpu.dma_semaphore, #tpu.memory_space<semaphore_mem>>)
        %dma_wait3A = arith.constant 0 : i32
        %dma_wait3A_277 = arith.constant 0 : i32
        %dma_wait3A_278 = tpu.memref_slice %arg13[%dma_wait3A, %dma_wait3A_277] : memref<1x64xi32, #tpu.memory_space<vmem>> -> memref<1x64xi32, #tpu.memory_space<vmem>>
        %dma_wait3A_279 = tpu.memref_squeeze %dma_wait3A_278 : memref<1x64xi32, #tpu.memory_space<vmem>> -> memref<64xi32, #tpu.memory_space<vmem>>
        %dma_wait3A_280 = arith.constant 0 : i32
        %dma_wait3A_281 = arith.constant 0 : i32
        %dma_wait3A_282 = tpu.memref_slice %arg5[%dma_wait3A_280, %dma_wait3A_281] : memref<10240x144xf32, #tpu.memory_space<hbm>> -> memref<10240x144xf32, #tpu.memory_space<hbm>>
        tpu.wait_indirect_dma semaphore(%arg17 : memref<!tpu.dma_semaphore, #tpu.memory_space<semaphore_mem>>) src(%dma_wait3A_282 : memref<10240x144xf32, #tpu.memory_space<hbm>>) dst(%arg15 : memref<64x144xf32, #tpu.memory_space<vmem>>)
        %run_scoped3A = arith.constant 0 : i32
        "tpu.region"() ({
          %run_scoped3A_283 = tpu.sem_alloc : memref<!tpu.dma_semaphore, #tpu.memory_space<semaphore_mem>>
          %dma_start3A_284 = arith.constant 0 : i32
          %dma_start3A_285 = tpu.memref_slice %arg14[%run_scoped3A, %dma_start3A_284] : memref<1x64xi32, #tpu.memory_space<vmem>> -> memref<1x64xi32, #tpu.memory_space<vmem>>
          %dma_start3A_286 = tpu.memref_squeeze %dma_start3A_285 : memref<1x64xi32, #tpu.memory_space<vmem>> -> memref<64xi32, #tpu.memory_space<vmem>>
          %dma_start3A_287 = arith.constant 0 : i32
          %dma_start3A_288 = arith.constant 0 : i32
          %dma_start3A_289 = tpu.memref_slice %arg16[%dma_start3A_287, %dma_start3A_288] : memref<5128x144xf32, #tpu.memory_space<vmem_shared>> -> memref<5128x144xf32, #tpu.memory_space<vmem_shared>>
          tpu.enqueue_indirect_dma source(%arg15 : memref<64x144xf32, #tpu.memory_space<vmem>>) target(%dma_start3A_289 : memref<5128x144xf32, #tpu.memory_space<vmem_shared>>) offsets(%dma_start3A_286 : memref<64xi32, #tpu.memory_space<vmem>>) semaphore(%run_scoped3A_283 : memref<!tpu.dma_semaphore, #tpu.memory_space<semaphore_mem>>) {add = true}
          %dma_wait3A_290 = arith.constant 0 : i32
          %dma_wait3A_291 = tpu.memref_slice %arg14[%run_scoped3A, %dma_wait3A_290] : memref<1x64xi32, #tpu.memory_space<vmem>> -> memref<1x64xi32, #tpu.memory_space<vmem>>
          %dma_wait3A_292 = tpu.memref_squeeze %dma_wait3A_291 : memref<1x64xi32, #tpu.memory_space<vmem>> -> memref<64xi32, #tpu.memory_space<vmem>>
          %dma_wait3A_293 = arith.constant 0 : i32
          %dma_wait3A_294 = arith.constant 0 : i32
          %dma_wait3A_295 = tpu.memref_slice %arg16[%dma_wait3A_293, %dma_wait3A_294] : memref<5128x144xf32, #tpu.memory_space<vmem_shared>> -> memref<5128x144xf32, #tpu.memory_space<vmem_shared>>
          tpu.wait_indirect_dma semaphore(%run_scoped3A_283 : memref<!tpu.dma_semaphore, #tpu.memory_space<semaphore_mem>>) src(%arg15 : memref<64x144xf32, #tpu.memory_space<vmem>>) dst(%dma_wait3A_295 : memref<5128x144xf32, #tpu.memory_space<vmem_shared>>)
          tpu.yield
        }) : () -> ()
      }
      %barrier3A_96 = arith.constant 0 : index
      tpu.barrier barrier_id(%barrier3A_96)
      %jit3A_97 = arith.constant 2 : i32
      %div3A_98 = arith.divsi %scan3A_14, %jit3A_97 : i32
      %sign3A_99 = arith.constant 0 : i32
      %sign3A_100 = arith.cmpi sgt, %scan3A_14, %sign3A_99 : i32
      %sign3A_101 = arith.extui %sign3A_100 : i1 to i32
      %sign3A_102 = arith.constant 0 : i32
      %sign3A_103 = arith.cmpi slt, %scan3A_14, %sign3A_102 : i32
      %sign3A_104 = arith.extui %sign3A_103 : i1 to i32
      %sign3A_105 = arith.subi %sign3A_101, %sign3A_104 : i32
      %sign3A_106 = arith.constant 0 : i32
      %sign3A_107 = arith.cmpi sgt, %jit3A_97, %sign3A_106 : i32
      %sign3A_108 = arith.extui %sign3A_107 : i1 to i32
      %sign3A_109 = arith.constant 0 : i32
      %sign3A_110 = arith.cmpi slt, %jit3A_97, %sign3A_109 : i32
      %sign3A_111 = arith.extui %sign3A_110 : i1 to i32
      %sign3A_112 = arith.subi %sign3A_108, %sign3A_111 : i32
      %ne3A_113 = arith.cmpi ne, %sign3A_105, %sign3A_112 : i32
      %rem3A_114 = arith.remsi %scan3A_14, %jit3A_97 : i32
      %ne3A_115 = arith.constant 0 : i32
      %ne3A_116 = arith.cmpi ne, %rem3A_114, %ne3A_115 : i32
      %and3A_117 = arith.andi %ne3A_113, %ne3A_116 : i1
      %sub3A_118 = arith.constant 1 : i32
      %sub3A_119 = arith.subi %div3A_98, %sub3A_118 : i32
      %select_n3A_120 = arith.select %and3A_117, %sub3A_119, %div3A_98 : i32
      %mul3A_121 = arith.constant 2 : i32
      %mul3A_122 = arith.muli %select_n3A_120, %mul3A_121 : i32
      %add3A_123 = arith.addi %mul3A_122, %arg0 : i32
      %jit3A_124 = arith.constant 2 : i32
      %div3A_125 = arith.divsi %scan3A_14, %jit3A_124 : i32
      %sign3A_126 = arith.constant 0 : i32
      %sign3A_127 = arith.cmpi sgt, %scan3A_14, %sign3A_126 : i32
      %sign3A_128 = arith.extui %sign3A_127 : i1 to i32
      %sign3A_129 = arith.constant 0 : i32
      %sign3A_130 = arith.cmpi slt, %scan3A_14, %sign3A_129 : i32
      %sign3A_131 = arith.extui %sign3A_130 : i1 to i32
      %sign3A_132 = arith.subi %sign3A_128, %sign3A_131 : i32
      %sign3A_133 = arith.constant 0 : i32
      %sign3A_134 = arith.cmpi sgt, %jit3A_124, %sign3A_133 : i32
      %sign3A_135 = arith.extui %sign3A_134 : i1 to i32
      %sign3A_136 = arith.constant 0 : i32
      %sign3A_137 = arith.cmpi slt, %jit3A_124, %sign3A_136 : i32
      %sign3A_138 = arith.extui %sign3A_137 : i1 to i32
      %sign3A_139 = arith.subi %sign3A_135, %sign3A_138 : i32
      %ne3A_140 = arith.cmpi ne, %sign3A_132, %sign3A_139 : i32
      %rem3A_141 = arith.remsi %scan3A_14, %jit3A_124 : i32
      %ne3A_142 = arith.constant 0 : i32
      %ne3A_143 = arith.cmpi ne, %rem3A_141, %ne3A_142 : i32
      %and3A_144 = arith.andi %ne3A_140, %ne3A_143 : i1
      %sub3A_145 = arith.constant 1 : i32
      %sub3A_146 = arith.subi %div3A_125, %sub3A_145 : i32
      %select_n3A_147 = arith.select %and3A_144, %sub3A_146, %div3A_125 : i32
      %mul3A_148 = arith.constant 2 : i32
      %mul3A_149 = arith.muli %select_n3A_147, %mul3A_148 : i32
      %sub3A_150 = arith.subi %scan3A_14, %mul3A_149 : i32
      %mul3A_151 = arith.constant 10240 : i32
      %mul3A_152 = arith.muli %add3A_123, %mul3A_151 : i32
      %mul3A_153 = arith.constant 5120 : i32
      %mul3A_154 = arith.muli %sub3A_150, %mul3A_153 : i32
      %add3A_155 = arith.addi %mul3A_152, %mul3A_154 : i32
      %add3A_156 = arith.addi %add3A_155, %mul3A_6 : i32
      %add3A_157 = arith.constant 0 : i32
      %add3A_158 = arith.addi %mul3A_6, %add3A_157 : i32
      "tpu.region"() ({
        %run_scoped3A = tpu.sem_alloc : memref<!tpu.dma_semaphore, #tpu.memory_space<semaphore_mem>>
        %dma_start3A = arith.constant 0 : i32
        %dma_start3A_178 = tpu.memref_slice %arg16[%add3A_158, %dma_start3A] : memref<5128x144xf32, #tpu.memory_space<vmem_shared>> -> memref<64x144xf32, #tpu.memory_space<vmem_shared>>
        %dma_start3A_179 = arith.constant 0 : i32
        %dma_start3A_180 = tpu.memref_slice %arg16[%add3A_158, %dma_start3A_179] : memref<5128x144xf32, #tpu.memory_space<vmem_shared>> -> memref<64x144xf32, #tpu.memory_space<vmem_shared>>
        tpu.enqueue_dma source(%dma_start3A_180 : memref<64x144xf32, #tpu.memory_space<vmem_shared>>) target(%arg15 : memref<64x144xf32, #tpu.memory_space<vmem>>) target_semaphore(%run_scoped3A : memref<!tpu.dma_semaphore, #tpu.memory_space<semaphore_mem>>)
        %dma_wait3A = arith.constant 0 : i32
        %dma_wait3A_181 = tpu.memref_slice %arg16[%add3A_158, %dma_wait3A] : memref<5128x144xf32, #tpu.memory_space<vmem_shared>> -> memref<64x144xf32, #tpu.memory_space<vmem_shared>>
        %dma_wait3A_182 = arith.constant 0 : i32
        %dma_wait3A_183 = tpu.memref_slice %arg16[%add3A_158, %dma_wait3A_182] : memref<5128x144xf32, #tpu.memory_space<vmem_shared>> -> memref<64x144xf32, #tpu.memory_space<vmem_shared>>
        tpu.wait_dma2 semaphore(%run_scoped3A : memref<!tpu.dma_semaphore, #tpu.memory_space<semaphore_mem>>) src(%dma_wait3A_183 : memref<64x144xf32, #tpu.memory_space<vmem_shared>>) dst(%arg15 : memref<64x144xf32, #tpu.memory_space<vmem>>)
        tpu.yield
      }) : () -> ()
      %add3A_159 = arith.constant 0 : i32
      %add3A_160 = arith.addi %add3A_156, %add3A_159 : i32
      "tpu.region"() ({
        %run_scoped3A = tpu.sem_alloc : memref<!tpu.dma_semaphore, #tpu.memory_space<semaphore_mem>>
        %dma_start3A = arith.constant 0 : i32
        %dma_start3A_178 = tpu.memref_slice %arg7[%add3A_160, %dma_start3A] : memref<81920x144xf32, #tpu.memory_space<hbm>> -> memref<64x144xf32, #tpu.memory_space<hbm>>
        %dma_start3A_179 = arith.constant 0 : i32
        %dma_start3A_180 = tpu.memref_slice %arg7[%add3A_160, %dma_start3A_179] : memref<81920x144xf32, #tpu.memory_space<hbm>> -> memref<64x144xf32, #tpu.memory_space<hbm>>
        tpu.enqueue_dma source(%arg15 : memref<64x144xf32, #tpu.memory_space<vmem>>) target(%dma_start3A_180 : memref<64x144xf32, #tpu.memory_space<hbm>>) target_semaphore(%run_scoped3A : memref<!tpu.dma_semaphore, #tpu.memory_space<semaphore_mem>>)
        %dma_wait3A = arith.constant 0 : i32
        %dma_wait3A_181 = tpu.memref_slice %arg7[%add3A_160, %dma_wait3A] : memref<81920x144xf32, #tpu.memory_space<hbm>> -> memref<64x144xf32, #tpu.memory_space<hbm>>
        %dma_wait3A_182 = arith.constant 0 : i32
        %dma_wait3A_183 = tpu.memref_slice %arg7[%add3A_160, %dma_wait3A_182] : memref<81920x144xf32, #tpu.memory_space<hbm>> -> memref<64x144xf32, #tpu.memory_space<hbm>>
        tpu.wait_dma2 semaphore(%run_scoped3A : memref<!tpu.dma_semaphore, #tpu.memory_space<semaphore_mem>>) src(%arg15 : memref<64x144xf32, #tpu.memory_space<vmem>>) dst(%dma_wait3A_183 : memref<64x144xf32, #tpu.memory_space<hbm>>)
        tpu.yield
      }) : () -> ()
      %add3A_161 = arith.constant 64 : i32
      %add3A_162 = arith.addi %mul3A_6, %add3A_161 : i32
      "tpu.region"() ({
        %run_scoped3A = tpu.sem_alloc : memref<!tpu.dma_semaphore, #tpu.memory_space<semaphore_mem>>
        %dma_start3A = arith.constant 0 : i32
        %dma_start3A_178 = tpu.memref_slice %arg16[%add3A_162, %dma_start3A] : memref<5128x144xf32, #tpu.memory_space<vmem_shared>> -> memref<64x144xf32, #tpu.memory_space<vmem_shared>>
        %dma_start3A_179 = arith.constant 0 : i32
        %dma_start3A_180 = tpu.memref_slice %arg16[%add3A_162, %dma_start3A_179] : memref<5128x144xf32, #tpu.memory_space<vmem_shared>> -> memref<64x144xf32, #tpu.memory_space<vmem_shared>>
        tpu.enqueue_dma source(%dma_start3A_180 : memref<64x144xf32, #tpu.memory_space<vmem_shared>>) target(%arg15 : memref<64x144xf32, #tpu.memory_space<vmem>>) target_semaphore(%run_scoped3A : memref<!tpu.dma_semaphore, #tpu.memory_space<semaphore_mem>>)
        %dma_wait3A = arith.constant 0 : i32
        %dma_wait3A_181 = tpu.memref_slice %arg16[%add3A_162, %dma_wait3A] : memref<5128x144xf32, #tpu.memory_space<vmem_shared>> -> memref<64x144xf32, #tpu.memory_space<vmem_shared>>
        %dma_wait3A_182 = arith.constant 0 : i32
        %dma_wait3A_183 = tpu.memref_slice %arg16[%add3A_162, %dma_wait3A_182] : memref<5128x144xf32, #tpu.memory_space<vmem_shared>> -> memref<64x144xf32, #tpu.memory_space<vmem_shared>>
        tpu.wait_dma2 semaphore(%run_scoped3A : memref<!tpu.dma_semaphore, #tpu.memory_space<semaphore_mem>>) src(%dma_wait3A_183 : memref<64x144xf32, #tpu.memory_space<vmem_shared>>) dst(%arg15 : memref<64x144xf32, #tpu.memory_space<vmem>>)
        tpu.yield
      }) : () -> ()
      %add3A_163 = arith.constant 64 : i32
      %add3A_164 = arith.addi %add3A_156, %add3A_163 : i32
      "tpu.region"() ({
        %run_scoped3A = tpu.sem_alloc : memref<!tpu.dma_semaphore, #tpu.memory_space<semaphore_mem>>
        %dma_start3A = arith.constant 0 : i32
        %dma_start3A_178 = tpu.memref_slice %arg7[%add3A_164, %dma_start3A] : memref<81920x144xf32, #tpu.memory_space<hbm>> -> memref<64x144xf32, #tpu.memory_space<hbm>>
        %dma_start3A_179 = arith.constant 0 : i32
        %dma_start3A_180 = tpu.memref_slice %arg7[%add3A_164, %dma_start3A_179] : memref<81920x144xf32, #tpu.memory_space<hbm>> -> memref<64x144xf32, #tpu.memory_space<hbm>>
        tpu.enqueue_dma source(%arg15 : memref<64x144xf32, #tpu.memory_space<vmem>>) target(%dma_start3A_180 : memref<64x144xf32, #tpu.memory_space<hbm>>) target_semaphore(%run_scoped3A : memref<!tpu.dma_semaphore, #tpu.memory_space<semaphore_mem>>)
        %dma_wait3A = arith.constant 0 : i32
        %dma_wait3A_181 = tpu.memref_slice %arg7[%add3A_164, %dma_wait3A] : memref<81920x144xf32, #tpu.memory_space<hbm>> -> memref<64x144xf32, #tpu.memory_space<hbm>>
        %dma_wait3A_182 = arith.constant 0 : i32
        %dma_wait3A_183 = tpu.memref_slice %arg7[%add3A_164, %dma_wait3A_182] : memref<81920x144xf32, #tpu.memory_space<hbm>> -> memref<64x144xf32, #tpu.memory_space<hbm>>
        tpu.wait_dma2 semaphore(%run_scoped3A : memref<!tpu.dma_semaphore, #tpu.memory_space<semaphore_mem>>) src(%arg15 : memref<64x144xf32, #tpu.memory_space<vmem>>) dst(%dma_wait3A_183 : memref<64x144xf32, #tpu.memory_space<hbm>>)
        tpu.yield
      }) : () -> ()
      %add3A_165 = arith.constant 128 : i32
      %add3A_166 = arith.addi %mul3A_6, %add3A_165 : i32
      "tpu.region"() ({
        %run_scoped3A = tpu.sem_alloc : memref<!tpu.dma_semaphore, #tpu.memory_space<semaphore_mem>>
        %dma_start3A = arith.constant 0 : i32
        %dma_start3A_178 = tpu.memref_slice %arg16[%add3A_166, %dma_start3A] : memref<5128x144xf32, #tpu.memory_space<vmem_shared>> -> memref<64x144xf32, #tpu.memory_space<vmem_shared>>
        %dma_start3A_179 = arith.constant 0 : i32
        %dma_start3A_180 = tpu.memref_slice %arg16[%add3A_166, %dma_start3A_179] : memref<5128x144xf32, #tpu.memory_space<vmem_shared>> -> memref<64x144xf32, #tpu.memory_space<vmem_shared>>
        tpu.enqueue_dma source(%dma_start3A_180 : memref<64x144xf32, #tpu.memory_space<vmem_shared>>) target(%arg15 : memref<64x144xf32, #tpu.memory_space<vmem>>) target_semaphore(%run_scoped3A : memref<!tpu.dma_semaphore, #tpu.memory_space<semaphore_mem>>)
        %dma_wait3A = arith.constant 0 : i32
        %dma_wait3A_181 = tpu.memref_slice %arg16[%add3A_166, %dma_wait3A] : memref<5128x144xf32, #tpu.memory_space<vmem_shared>> -> memref<64x144xf32, #tpu.memory_space<vmem_shared>>
        %dma_wait3A_182 = arith.constant 0 : i32
        %dma_wait3A_183 = tpu.memref_slice %arg16[%add3A_166, %dma_wait3A_182] : memref<5128x144xf32, #tpu.memory_space<vmem_shared>> -> memref<64x144xf32, #tpu.memory_space<vmem_shared>>
        tpu.wait_dma2 semaphore(%run_scoped3A : memref<!tpu.dma_semaphore, #tpu.memory_space<semaphore_mem>>) src(%dma_wait3A_183 : memref<64x144xf32, #tpu.memory_space<vmem_shared>>) dst(%arg15 : memref<64x144xf32, #tpu.memory_space<vmem>>)
        tpu.yield
      }) : () -> ()
      %add3A_167 = arith.constant 128 : i32
      %add3A_168 = arith.addi %add3A_156, %add3A_167 : i32
      "tpu.region"() ({
        %run_scoped3A = tpu.sem_alloc : memref<!tpu.dma_semaphore, #tpu.memory_space<semaphore_mem>>
        %dma_start3A = arith.constant 0 : i32
        %dma_start3A_178 = tpu.memref_slice %arg7[%add3A_168, %dma_start3A] : memref<81920x144xf32, #tpu.memory_space<hbm>> -> memref<64x144xf32, #tpu.memory_space<hbm>>
        %dma_start3A_179 = arith.constant 0 : i32
        %dma_start3A_180 = tpu.memref_slice %arg7[%add3A_168, %dma_start3A_179] : memref<81920x144xf32, #tpu.memory_space<hbm>> -> memref<64x144xf32, #tpu.memory_space<hbm>>
        tpu.enqueue_dma source(%arg15 : memref<64x144xf32, #tpu.memory_space<vmem>>) target(%dma_start3A_180 : memref<64x144xf32, #tpu.memory_space<hbm>>) target_semaphore(%run_scoped3A : memref<!tpu.dma_semaphore, #tpu.memory_space<semaphore_mem>>)
        %dma_wait3A = arith.constant 0 : i32
        %dma_wait3A_181 = tpu.memref_slice %arg7[%add3A_168, %dma_wait3A] : memref<81920x144xf32, #tpu.memory_space<hbm>> -> memref<64x144xf32, #tpu.memory_space<hbm>>
        %dma_wait3A_182 = arith.constant 0 : i32
        %dma_wait3A_183 = tpu.memref_slice %arg7[%add3A_168, %dma_wait3A_182] : memref<81920x144xf32, #tpu.memory_space<hbm>> -> memref<64x144xf32, #tpu.memory_space<hbm>>
        tpu.wait_dma2 semaphore(%run_scoped3A : memref<!tpu.dma_semaphore, #tpu.memory_space<semaphore_mem>>) src(%arg15 : memref<64x144xf32, #tpu.memory_space<vmem>>) dst(%dma_wait3A_183 : memref<64x144xf32, #tpu.memory_space<hbm>>)
        tpu.yield
      }) : () -> ()
      %add3A_169 = arith.constant 192 : i32
      %add3A_170 = arith.addi %mul3A_6, %add3A_169 : i32
      "tpu.region"() ({
        %run_scoped3A = tpu.sem_alloc : memref<!tpu.dma_semaphore, #tpu.memory_space<semaphore_mem>>
        %dma_start3A = arith.constant 0 : i32
        %dma_start3A_178 = tpu.memref_slice %arg16[%add3A_170, %dma_start3A] : memref<5128x144xf32, #tpu.memory_space<vmem_shared>> -> memref<64x144xf32, #tpu.memory_space<vmem_shared>>
        %dma_start3A_179 = arith.constant 0 : i32
        %dma_start3A_180 = tpu.memref_slice %arg16[%add3A_170, %dma_start3A_179] : memref<5128x144xf32, #tpu.memory_space<vmem_shared>> -> memref<64x144xf32, #tpu.memory_space<vmem_shared>>
        tpu.enqueue_dma source(%dma_start3A_180 : memref<64x144xf32, #tpu.memory_space<vmem_shared>>) target(%arg15 : memref<64x144xf32, #tpu.memory_space<vmem>>) target_semaphore(%run_scoped3A : memref<!tpu.dma_semaphore, #tpu.memory_space<semaphore_mem>>)
        %dma_wait3A = arith.constant 0 : i32
        %dma_wait3A_181 = tpu.memref_slice %arg16[%add3A_170, %dma_wait3A] : memref<5128x144xf32, #tpu.memory_space<vmem_shared>> -> memref<64x144xf32, #tpu.memory_space<vmem_shared>>
        %dma_wait3A_182 = arith.constant 0 : i32
        %dma_wait3A_183 = tpu.memref_slice %arg16[%add3A_170, %dma_wait3A_182] : memref<5128x144xf32, #tpu.memory_space<vmem_shared>> -> memref<64x144xf32, #tpu.memory_space<vmem_shared>>
        tpu.wait_dma2 semaphore(%run_scoped3A : memref<!tpu.dma_semaphore, #tpu.memory_space<semaphore_mem>>) src(%dma_wait3A_183 : memref<64x144xf32, #tpu.memory_space<vmem_shared>>) dst(%arg15 : memref<64x144xf32, #tpu.memory_space<vmem>>)
        tpu.yield
      }) : () -> ()
      %add3A_171 = arith.constant 192 : i32
      %add3A_172 = arith.addi %add3A_156, %add3A_171 : i32
      "tpu.region"() ({
        %run_scoped3A = tpu.sem_alloc : memref<!tpu.dma_semaphore, #tpu.memory_space<semaphore_mem>>
        %dma_start3A = arith.constant 0 : i32
        %dma_start3A_178 = tpu.memref_slice %arg7[%add3A_172, %dma_start3A] : memref<81920x144xf32, #tpu.memory_space<hbm>> -> memref<64x144xf32, #tpu.memory_space<hbm>>
        %dma_start3A_179 = arith.constant 0 : i32
        %dma_start3A_180 = tpu.memref_slice %arg7[%add3A_172, %dma_start3A_179] : memref<81920x144xf32, #tpu.memory_space<hbm>> -> memref<64x144xf32, #tpu.memory_space<hbm>>
        tpu.enqueue_dma source(%arg15 : memref<64x144xf32, #tpu.memory_space<vmem>>) target(%dma_start3A_180 : memref<64x144xf32, #tpu.memory_space<hbm>>) target_semaphore(%run_scoped3A : memref<!tpu.dma_semaphore, #tpu.memory_space<semaphore_mem>>)
        %dma_wait3A = arith.constant 0 : i32
        %dma_wait3A_181 = tpu.memref_slice %arg7[%add3A_172, %dma_wait3A] : memref<81920x144xf32, #tpu.memory_space<hbm>> -> memref<64x144xf32, #tpu.memory_space<hbm>>
        %dma_wait3A_182 = arith.constant 0 : i32
        %dma_wait3A_183 = tpu.memref_slice %arg7[%add3A_172, %dma_wait3A_182] : memref<81920x144xf32, #tpu.memory_space<hbm>> -> memref<64x144xf32, #tpu.memory_space<hbm>>
        tpu.wait_dma2 semaphore(%run_scoped3A : memref<!tpu.dma_semaphore, #tpu.memory_space<semaphore_mem>>) src(%arg15 : memref<64x144xf32, #tpu.memory_space<vmem>>) dst(%dma_wait3A_183 : memref<64x144xf32, #tpu.memory_space<hbm>>)
        tpu.yield
      }) : () -> ()
      %add3A_173 = arith.constant 256 : i32
      %add3A_174 = arith.addi %mul3A_6, %add3A_173 : i32
      "tpu.region"() ({
        %run_scoped3A = tpu.sem_alloc : memref<!tpu.dma_semaphore, #tpu.memory_space<semaphore_mem>>
        %dma_start3A = arith.constant 0 : i32
        %dma_start3A_178 = tpu.memref_slice %arg16[%add3A_174, %dma_start3A] : memref<5128x144xf32, #tpu.memory_space<vmem_shared>> -> memref<64x144xf32, #tpu.memory_space<vmem_shared>>
        %dma_start3A_179 = arith.constant 0 : i32
        %dma_start3A_180 = tpu.memref_slice %arg16[%add3A_174, %dma_start3A_179] : memref<5128x144xf32, #tpu.memory_space<vmem_shared>> -> memref<64x144xf32, #tpu.memory_space<vmem_shared>>
        tpu.enqueue_dma source(%dma_start3A_180 : memref<64x144xf32, #tpu.memory_space<vmem_shared>>) target(%arg15 : memref<64x144xf32, #tpu.memory_space<vmem>>) target_semaphore(%run_scoped3A : memref<!tpu.dma_semaphore, #tpu.memory_space<semaphore_mem>>)
        %dma_wait3A = arith.constant 0 : i32
        %dma_wait3A_181 = tpu.memref_slice %arg16[%add3A_174, %dma_wait3A] : memref<5128x144xf32, #tpu.memory_space<vmem_shared>> -> memref<64x144xf32, #tpu.memory_space<vmem_shared>>
        %dma_wait3A_182 = arith.constant 0 : i32
        %dma_wait3A_183 = tpu.memref_slice %arg16[%add3A_174, %dma_wait3A_182] : memref<5128x144xf32, #tpu.memory_space<vmem_shared>> -> memref<64x144xf32, #tpu.memory_space<vmem_shared>>
        tpu.wait_dma2 semaphore(%run_scoped3A : memref<!tpu.dma_semaphore, #tpu.memory_space<semaphore_mem>>) src(%dma_wait3A_183 : memref<64x144xf32, #tpu.memory_space<vmem_shared>>) dst(%arg15 : memref<64x144xf32, #tpu.memory_space<vmem>>)
        tpu.yield
      }) : () -> ()
      %add3A_175 = arith.constant 256 : i32
      %add3A_176 = arith.addi %add3A_156, %add3A_175 : i32
      "tpu.region"() ({
        %run_scoped3A = tpu.sem_alloc : memref<!tpu.dma_semaphore, #tpu.memory_space<semaphore_mem>>
        %dma_start3A = arith.constant 0 : i32
        %dma_start3A_178 = tpu.memref_slice %arg7[%add3A_176, %dma_start3A] : memref<81920x144xf32, #tpu.memory_space<hbm>> -> memref<64x144xf32, #tpu.memory_space<hbm>>
        %dma_start3A_179 = arith.constant 0 : i32
        %dma_start3A_180 = tpu.memref_slice %arg7[%add3A_176, %dma_start3A_179] : memref<81920x144xf32, #tpu.memory_space<hbm>> -> memref<64x144xf32, #tpu.memory_space<hbm>>
        tpu.enqueue_dma source(%arg15 : memref<64x144xf32, #tpu.memory_space<vmem>>) target(%dma_start3A_180 : memref<64x144xf32, #tpu.memory_space<hbm>>) target_semaphore(%run_scoped3A : memref<!tpu.dma_semaphore, #tpu.memory_space<semaphore_mem>>)
        %dma_wait3A = arith.constant 0 : i32
        %dma_wait3A_181 = tpu.memref_slice %arg7[%add3A_176, %dma_wait3A] : memref<81920x144xf32, #tpu.memory_space<hbm>> -> memref<64x144xf32, #tpu.memory_space<hbm>>
        %dma_wait3A_182 = arith.constant 0 : i32
        %dma_wait3A_183 = tpu.memref_slice %arg7[%add3A_176, %dma_wait3A_182] : memref<81920x144xf32, #tpu.memory_space<hbm>> -> memref<64x144xf32, #tpu.memory_space<hbm>>
        tpu.wait_dma2 semaphore(%run_scoped3A : memref<!tpu.dma_semaphore, #tpu.memory_space<semaphore_mem>>) src(%arg15 : memref<64x144xf32, #tpu.memory_space<vmem>>) dst(%dma_wait3A_183 : memref<64x144xf32, #tpu.memory_space<hbm>>)
        tpu.yield
      }) : () -> ()
      %barrier3A_177 = arith.constant 0 : index
      tpu.barrier barrier_id(%barrier3A_177)
    }
    %scan3A_13 = arith.constant 8 : i32
    return
  }
}

module attributes {stable_mosaic.version = 14 : i64} {
  func.func @_tc_body(%arg0: i32, %arg1: i32, %arg2: memref<256x144xf32, #tpu.memory_space<vmem>>, %arg3: memref<256x144xf32, #tpu.memory_space<vmem>>, %arg4: memref<1x128x128xf32, #tpu.memory_space<vmem>>, %arg5: memref<128x128xf32, #tpu.memory_space<vmem>>, %arg6: memref<256x128xf32, #tpu.memory_space<vmem>>) attributes {dimension_semantics = [#tpu.dimension_semantics<arbitrary>, #tpu.dimension_semantics<arbitrary>], iteration_bounds = array<i64: 40, 8>, scalar_prefetch = 0 : i64, scratch_operands = 0 : i64, tpu.core_type = #tpu.core_type<tc>, window_params = [{transform_indices = @transform_0, window_bounds = array<i64: 256, 144>}, {transform_indices = @transform_1, window_bounds = array<i64: 256, 144>}, {transform_indices = @transform_2, window_bounds = array<i64: 1, 128, 128>}, {pipeline_mode = #tpu.pipeline_mode<synchronous>, transform_indices = @transform_3, window_bounds = array<i64: 128, 128>}, {transform_indices = @transform_4, window_bounds = array<i64: 256, 128>}]} {
    %get3A = arith.constant 0 : index
    %get3A_0 = arith.constant 0 : index
    %get3A_1 = vector.load %arg2[%get3A, %get3A_0] : memref<256x144xf32, #tpu.memory_space<vmem>>, vector<256x144xf32>
    %slice3A = vector.extract_strided_slice %get3A_1 {offsets = [0, 128], sizes = [256, 1], strides = [1, 1]} : vector<256x144xf32> to vector<256x1xf32>
    %max3A = arith.constant 1.000000e+00 : f32
    %max3A_2 = vector.broadcast %max3A : f32 to vector<256x1xf32>
    %max3A_3 = arith.maximumf %slice3A, %max3A_2 : vector<256x1xf32>
    %div3A = arith.constant 1.000000e+00 : f32
    %div3A_4 = vector.broadcast %div3A : f32 to vector<256x1xf32>
    %div3A_5 = arith.divf %div3A_4, %max3A_3 : vector<256x1xf32>
    %slice3A_6 = vector.extract_strided_slice %get3A_1 {offsets = [0, 0], sizes = [256, 128], strides = [1, 1]} : vector<256x144xf32> to vector<256x128xf32>
    %mul3A = vector.broadcast %div3A_5 : vector<256x1xf32> to vector<256x128xf32>
    %mul3A_7 = arith.mulf %slice3A_6, %mul3A : vector<256x128xf32>
    %get3A_8 = arith.constant 0 : index
    %get3A_9 = arith.constant 0 : index
    %get3A_10 = arith.constant 0 : index
    %get3A_11 = vector.load %arg4[%get3A_8, %get3A_9, %get3A_10] : memref<1x128x128xf32, #tpu.memory_space<vmem>>, vector<1x128x128xf32>
    %get3A_12 = vector.shape_cast %get3A_11 : vector<1x128x128xf32> to vector<128x128xf32>
    %dot_general3A = arith.constant dense<0.000000e+00> : vector<256x128xf32>
    %dot_general3A_13 = tpu.matmul %mul3A_7, %get3A_12, %dot_general3A {dimension_numbers = #tpu.dot_dimension_numbers<[1], [0], [0], [1], [0, 0, 1, 1], [], []>, transpose_lhs_hint = false} : vector<256x128xf32>, vector<128x128xf32>, vector<256x128xf32> -> vector<256x128xf32>
    %eq3A = arith.constant 0 : i32
    %eq3A_14 = arith.cmpi eq, %arg1, %eq3A : i32
    %convert_element_type3A = arith.extui %eq3A_14 : i1 to i32
    %cond3A = arith.constant 0 : i32
    %cond3A_15 = arith.cmpi ne, %convert_element_type3A, %cond3A : i32
    scf.if %cond3A_15 {
      %get3A_20 = arith.constant 0 : index
      %get3A_21 = arith.constant 0 : index
      %get3A_22 = vector.load %arg3[%get3A_20, %get3A_21] : memref<256x144xf32, #tpu.memory_space<vmem>>, vector<256x144xf32>
      %slice3A_23 = vector.extract_strided_slice %get3A_22 {offsets = [0, 0], sizes = [256, 128], strides = [1, 1]} : vector<256x144xf32> to vector<256x128xf32>
      %get3A_24 = arith.constant 0 : index
      %get3A_25 = arith.constant 0 : index
      %get3A_26 = vector.load %arg5[%get3A_24, %get3A_25] : memref<128x128xf32, #tpu.memory_space<vmem>>, vector<128x128xf32>
      %dot_general3A_27 = arith.constant dense<0.000000e+00> : vector<256x128xf32>
      %dot_general3A_28 = tpu.matmul %slice3A_23, %get3A_26, %dot_general3A_27 {dimension_numbers = #tpu.dot_dimension_numbers<[1], [0], [0], [1], [0, 0, 1, 1], [], []>, transpose_lhs_hint = false} : vector<256x128xf32>, vector<128x128xf32>, vector<256x128xf32> -> vector<256x128xf32>
      %add3A = arith.addf %dot_general3A_13, %dot_general3A_28 : vector<256x128xf32>
      %swap3A = arith.constant 0 : index
      %swap3A_29 = arith.constant 0 : index
      %swap3A_30 = vector.load %arg6[%swap3A, %swap3A_29] : memref<256x128xf32, #tpu.memory_space<vmem>>, vector<256x128xf32>
      tpu.vector_store %arg6[%swap3A, %swap3A_29], %add3A {strides = array<i32>} : memref<256x128xf32, #tpu.memory_space<vmem>>, vector<256x128xf32>,
    } else {
    }
    %gt3A = arith.constant 0 : i32
    %gt3A_16 = arith.cmpi sgt, %arg1, %gt3A : i32
    %convert_element_type3A_17 = arith.extui %gt3A_16 : i1 to i32
    %cond3A_18 = arith.constant 0 : i32
    %cond3A_19 = arith.cmpi ne, %convert_element_type3A_17, %cond3A_18 : i32
    scf.if %cond3A_19 {
      %get3A_20 = arith.constant 0 : index
      %get3A_21 = arith.constant 0 : index
      %get3A_22 = vector.load %arg6[%get3A_20, %get3A_21] : memref<256x128xf32, #tpu.memory_space<vmem>>, vector<256x128xf32>
      %add3A = arith.addf %get3A_22, %dot_general3A_13 : vector<256x128xf32>
      %swap3A = arith.constant 0 : index
      %swap3A_23 = arith.constant 0 : index
      %swap3A_24 = vector.load %arg6[%swap3A, %swap3A_23] : memref<256x128xf32, #tpu.memory_space<vmem>>, vector<256x128xf32>
      tpu.vector_store %arg6[%swap3A, %swap3A_23], %add3A {strides = array<i32>} : memref<256x128xf32, #tpu.memory_space<vmem>>, vector<256x128xf32>,
    } else {
    }
    return
  }
  func.func @transform_0(%arg0: i32, %arg1: i32) -> (i32, i32) {
    %mul3A = arith.constant 40 : i32
    %mul3A_0 = arith.muli %arg1, %mul3A : i32
    %add3A = arith.addi %mul3A_0, %arg0 : i32
    %c0_i32 = arith.constant 0 : i32
    %c0_i32_1 = arith.constant 0 : i32
    return %add3A, %c0_i32 : i32, i32
  }
  func.func @transform_1(%arg0: i32, %arg1: i32) -> (i32, i32) {
    %c0_i32 = arith.constant 0 : i32
    %c0_i32_0 = arith.constant 0 : i32
    return %arg0, %c0_i32 : i32, i32
  }
  func.func @transform_2(%arg0: i32, %arg1: i32) -> (i32, i32, i32) {
    %c0_i32 = arith.constant 0 : i32
    %c0_i32_0 = arith.constant 0 : i32
    %c0_i32_1 = arith.constant 0 : i32
    return %arg1, %c0_i32, %c0_i32_0 : i32, i32, i32
  }
  func.func @transform_3(%arg0: i32, %arg1: i32) -> (i32, i32) {
    %c0_i32 = arith.constant 0 : i32
    %c0_i32_0 = arith.constant 0 : i32
    %c0_i32_1 = arith.constant 0 : i32
    return %c0_i32, %c0_i32_0 : i32, i32
  }
  func.func @transform_4(%arg0: i32, %arg1: i32) -> (i32, i32) {
    %c0_i32 = arith.constant 0 : i32
    %c0_i32_0 = arith.constant 0 : i32
    return %arg0, %c0_i32 : i32, i32
  }
}

</mosaic_0001>

<sc_bundles>
// kernel: kernel.4.cloned.1.call-start
scs
__scs_entry_jumppad:
0x0: {  	(pc) =	sbr.rel $0x88, $3  }
0x1: {  	(tag) =	ssettag $0x0;
	lr =	simm.s32 $0x1  }
0x2: {  	[smem:$0x3F9B] =	sst lr;
	_ =	strace $0xD0000000  }
0x3: {  	_ = 	snop  }
0x4: {  	_ = 	snop  }
0x5: {  	_ = 	snop  }
0x6: {  	_ = 	snop  }
0x7: {  	_ = 	snop  }
__scs_overlays_trampoline_lowered:
0x8: {  	[smem:$0x3FAA] =	sst s0  }
0x9: {  	[smem:$0x3FAB] =	sst s1  }
0xa: {  	[smem:$0x3FAC] =	sst s2  }
0xb: {  	[smem:$0x3FAD] =	sst s3  }
0xc: {  	[smem:$0x3FAE] =	sst s4  }
0xd: {  	[smem:$0x3FAF] =	sst s5  }
0xe: {  	[smem:$0x3FB0] =	sst s6  }
0xf: {  	[smem:$0x3FB1] =	sst s7  }
0x10: {  	[smem:$0x3FB2] =	sst s8  }
0x11: {  	[smem:$0x3FB3] =	sst s9;
	s0 =	simm.s32 @!p0 $0x0  }
0x12: {  	s1 =	sld [smem:$0x3F99];
	s0 =	simm.s32 @p0 $0x1  }
0x13: {  	[smem:$0x3FB4] =	sst s0;
	s0 =	simm.s32 @!p1 $0x0  }
0x14: {  	s2 =	sld [smem:$0x3F98];
	s0 =	simm.s32 @p1 $0x1  }
0x15: {  	[smem:$0x3FB5] =	sst s0;
	s0 =	simm.s32 @!p2 $0x0  }
0x16: {  	s3 =	sld [smem:$0x3FDB];
	s0 =	simm.s32 @p2 $0x1  }
0x17: {  	s4 =	simm.s32 $0x1BF5;
	[smem:$0x3FB7] =	sst s0  }
0x18: {  	s0 =	sld [smem:$0x3F9A];
	_ =	swait.ge [sflag:s4], $0x0  }
0x19: {  	s7 =	sld [smem:$0x3F9B]  }
0x1a: {  	s8 =	sadd.s32 $0xFFFFE003, lr  }
0x1b: {  	s9 =	sadd.s32 $0xFFFFFEF7, lr;
	s5 =	simm.s32 $0xFFFFFFFF;
	p2 =	slt.u32 s8, $0xFFFFF086  }
0x1c: {  	p1 =	slt.u32 s9, $0xF7A;
	s5 =	simm.s32 @!p2 $0x0  }
0x1d: {  	s5 =	simm.s32 @p1 $0x1;
	p0 =	seq.s32 s7, s2  }
0x1e: {  	s7 =	smul.u32 @!p0 $0xF7A, s2;
	p2 =	seq.s32 @!p0 s5, $0x0  }
0x1f: {  	s9 =	smul.u32 $0xF7A, s1;
	s8 =	simm.s32 @!p0 $0x1BF5;
	p2 =	por !p2, p0  }
0x20: {  	[sflag:s8] =	ssyncset.s32 @!p0 $0xFFFFF086;
	s6 =	sadd.s32 @!p0 s3, s7;
	s7 =	simm.s32 @!p0 $0x108  }
0x21: {  	s3 =	sadd.s32 s3, s9;
	s6 =	sadd.s32 @!p0 $0x88, s6;
	s7 =	simm.s32 @p2 $0x1082  }
0x22: {  	[simem:s7], [sflag:s8] =	dma.local @!p0 [hbm:s6], $0xF7A  }
0x23: {  	s9 =	sor.u32 $0xD0000000, s2;
	s6 =	simm.s32 $0x108;
	_ =	swait.ge @!p0 [sflag:s8], $0x0  }
0x24: {  	s3 =	sadd.s32 $0x88, s3;
	s6 =	simm.s32 @!p1 $0x1082;
	[sflag:s4] =	ssyncset.s32 $0xFFFFF086  }
0x25: {  	[simem:s6], [sflag:s4] =	dma.local [hbm:s3], $0xF7A  }
0x26: {  	[smem:$0x3F9B] =	sst s1;
	(tag) =	ssettag s2;
	_ =	strace s9  }
0x27: {  	s1 =	sld [smem:$0x3FAB]  }
0x28: {  	s2 =	sld [smem:$0x3FAC]  }
0x29: {  	s4 =	sld [smem:$0x3FAE]  }
0x2a: {  	p0 =	seq.s32 s5, $0x0;
	s5 =	sld [smem:$0x3FAF]  }
0x2b: {  	s6 =	sld [smem:$0x3FB0]  }
0x2c: {  	s7 =	sld [smem:$0x3FB1]  }
0x2d: {  	s3 =	simm.s32 $0x108;
	s8 =	sld [smem:$0x3FB2]  }
0x2e: {  	s3 =	simm.s32 @!p0 $0x1082;
	s9 =	sld [smem:$0x3FB3]  }
0x2f: {  	lr =	sadd.s32 s0, s3;
	s0 =	sld [smem:$0x3FAA]  }
0x30: {  	s3 =	sld [smem:$0x3FAD]  }
0x31: {  	[smem:$0x3FB6] =	sst s10  }
0x32: {  	s10 =	sld [smem:$0x3FB4];
	_ =	sdelay $0x3  }
0x33: {  	p0 =	seq.s32 s10, $0x1;
	s10 =	sld [smem:$0x3FB6];
	_ =	sdelay $0x3  }
0x34: {  	[smem:$0x3FB6] =	sst s10  }
0x35: {  	s10 =	sld [smem:$0x3FB5];
	_ =	sdelay $0x3  }
0x36: {  	p1 =	seq.s32 s10, $0x1;
	s10 =	sld [smem:$0x3FB6];
	_ =	sdelay $0x3  }
0x37: {  	[smem:$0x3FB6] =	sst s10  }
0x38: {  	s10 =	sld [smem:$0x3FB7]  }
0x39: {  	_ = 	snop;
	(pc) =	sbr.ind lr, $3  }
0x3a: {  	_ = 	snop  }
0x3b: {  	_ = 	snop  }
0x3c: {  	p2 =	seq.s32 s10, $0x1;
	s10 =	sld [smem:$0x3FB6]  }
0x3d: {  	_ =	shalt  }
0x3e: {  	_ =	shalt  }
0x3f: {  	_ =	shalt  }
0x40: {  	_ =	shalt  }
0x41: {  	_ =	shalt  }
0x42: {  	_ =	shalt  }
0x43: {  	_ =	shalt  }
0x44: {  	_ =	shalt  }
0x45: {  	_ =	shalt  }
0x46: {  	_ =	shalt  }
0x47: {  	_ =	shalt  }
0x48: {  	_ =	shalt  }
0x49: {  	_ =	shalt  }
0x4a: {  	_ =	shalt  }
0x4b: {  	_ =	shalt  }
0x4c: {  	_ =	shalt  }
0x4d: {  	_ =	shalt  }
0x4e: {  	_ =	shalt  }
0x4f: {  	_ =	shalt  }
0x50: {  	_ =	shalt  }
0x51: {  	_ =	shalt  }
0x52: {  	_ =	shalt  }
0x53: {  	_ =	shalt  }
0x54: {  	_ =	shalt  }
0x55: {  	_ =	shalt  }
0x56: {  	_ =	shalt  }
0x57: {  	_ =	shalt  }
0x58: {  	_ =	shalt  }
0x59: {  	_ =	shalt  }
0x5a: {  	_ =	shalt  }
0x5b: {  	_ =	shalt  }
0x5c: {  	_ =	shalt  }
0x5d: {  	_ =	shalt  }
0x5e: {  	_ =	shalt  }
0x5f: {  	_ =	shalt  }
0x60: {  	_ =	shalt  }
0x61: {  	_ =	shalt  }
0x62: {  	_ =	shalt  }
0x63: {  	_ =	shalt  }
0x64: {  	_ =	shalt  }
0x65: {  	_ =	shalt  }
0x66: {  	_ =	shalt  }
0x67: {  	_ =	shalt  }
0x68: {  	_ =	shalt  }
0x69: {  	_ =	shalt  }
0x6a: {  	_ =	shalt  }
0x6b: {  	_ =	shalt  }
0x6c: {  	_ =	shalt  }
0x6d: {  	_ =	shalt  }
0x6e: {  	_ =	shalt  }
0x6f: {  	_ =	shalt  }
0x70: {  	_ =	shalt  }
0x71: {  	_ =	shalt  }
0x72: {  	_ =	shalt  }
0x73: {  	_ =	shalt  }
0x74: {  	_ =	shalt  }
0x75: {  	_ =	shalt  }
0x76: {  	_ =	shalt  }
0x77: {  	_ =	shalt  }
0x78: {  	_ =	shalt  }
0x79: {  	_ =	shalt  }
0x7a: {  	_ =	shalt  }
0x7b: {  	_ =	shalt  }
0x7c: {  	_ =	shalt  }
0x7d: {  	_ =	shalt  }
0x7e: {  	_ =	shalt  }
0x7f: {  	_ =	shalt  }
0x80: {  	_ =	shalt  }
0x81: {  	_ =	shalt  }
0x82: {  	_ =	shalt  }
0x83: {  	_ =	shalt  }
0x84: {  	_ =	shalt  }
0x85: {  	_ =	shalt  }
0x86: {  	_ =	shalt  }
0x87: {  	_ =	shalt  }
.Lfunc_end0:
.L_simem_size_0:
called_computation_lowered:
.L_overlay_start_0:
0x88: {  	s2 =	sld [smem:$0x3FD9]  }
0x89: {  	s3 =	sld [smem:$0x3FFE];
	_ =	sdelay $0x1  }
0x8a: {  	s1 =	srdreg.scid  }
0x8b: {  	s0 =	sand.u32 $0x1, s1  }
0x8c: {  	s17 =	sshll.u32 s0, $0xA;
	s2 =	sadd.s32 s3, s2  }
0x8d: {  	s2 =	sadd.s32 s2, s17  }
0x8e: {  	[smem:$0x3FC2] =	sst s2  }
0x8f: {  	_ = 	snop  }
0x90: {  	s2 =	sld [smem:$0x3FC7]  }
0x91: {  	s18 =	sld [smem:$0x3FD0];
	(tm) =	ssettm $0x1  }
0x92: {  	s4 =	sld [smem:$0x3FFB];
	_ =	sdelay $0x3  }
0x93: {  	_ =	strace s4  }
0x94: {  	s4 =	sld [smem:$0x3FFC];
	_ =	sdelay $0x3  }
0x95: {  	_ =	strace s4  }
0x96: {  	s4 =	sld [smem:$0x3FFD];
	_ =	sdelay $0x3  }
0x97: {  	_ =	strace s4  }
0x98: {  	_ =	strace $0x8FFFFFFF  }
0x99: {  	s19 =	sld [smem:$0x3FDB];
	_ =	sdelay $0x1  }
0x9a: {  	s5 =	simm.s32 $_scs_section_size  }
0x9b: {  	s6 =	simm.s32 $_size__tile_overlayer_lowered;
	s7 =	simm.s32 $_tile_overlayer_lowered  }
0x9c: {  	s22 =	simm.s32 $0x1BFF;
	s21 =	sshll.u32 s7, $0x1;
	s4 =	sadd.s32 s5, s19  }
0x9d: {  	s8 =	simm.s32 $0x0;
	s20 =	sshll.u32 s6, $0x1;
	s6 =	sadd.s32 s21, s4  }
0x9e: {  	[timem:s8], [sflag:s22] =	dma.local [hbm:s6], s20  }
0x9f: {  	_ =	swait.ge [sflag:s22], s20  }
0xa0: {  	s5 =	ssub.s32 $0x0, s20;
	[sflag:s22] =	ssyncset.done $0x0  }
0xa1: {  	[sflag:s22] =	ssyncadd.s32 s5;
	_ =	sdelay $0x1  }
0xa2: {  	s23 =	simm.s32 $0x1B8B  }
0xa3: {  	_ =	swait.ge [sflag:s23], $0x1  }
0xa4: {  	[sflag:s23] =	ssyncset.done $0x0  }
0xa5: {  	s25 =	simm.s32 $0x1B8E;
	s24 =	sld [smem:$0x3FFE];
	[sflag:s23] =	ssyncadd.s32 $0xFFFFFFFF  }
0xa6: {  	s26 =	simm.s32 $execute0_lowered;
	[smem:$0x3FD2] =	sst s25  }
0xa7: {  	s6 =	sshll.u32 s26, $0x1;
	_ =	strace $0x80000046;
	[dreg:$0x1] =	wrdreg $0xFFFFFFFF  }
0xa8: {  	s28 =	simm.s32 $_size_execute0_lowered;
	s4 =	sadd.s32 s4, s6;
	[dreg:$0x0] =	wrdreg $0x0  }
0xa9: {  	s6 =	sshll.u32 s28, $0x1;
	[dreg:$0x2] =	wrdreg s4  }
0xaa: {  	[dreg:$0x3] =	wrdreg s6  }
0xab: {  	[dreg:$0x4] =	wrdreg $0xC0  }
0xac: {  	_ =	task [dreg:s8], $0x5FFFF  }
0xad: {  	[dreg:$0x1] =	wrdreg $0xFFFFFFFF  }
0xae: {  	[dreg:$0x0] =	wrdreg $0x60  }
0xaf: {  	[dreg:$0x2] =	wrdreg s24  }
0xb0: {  	[dreg:$0x3] =	wrdreg s18  }
0xb1: {  	[dreg:$0x4] =	wrdreg s2  }
0xb2: {  	[dreg:$0x5] =	wrdreg $0x32200  }
0xb3: {  	[dreg:$0x6] =	wrdreg $0x9  }
0xb4: {  	_ =	task.clear_ibuf [dreg:s8], $0x7FFFF;
	_ =	strace $0x90000046  }
0xb5: {  	s29 =	simm.s32 $0x9;
	_ =	strace $0x80000048  }
0xb6: {  	_ =	swait.ge [sflag:s29], $0x1  }
0xb7: {  	[sflag:s29] =	ssyncadd.s32 $0xFFFFFFFF  }
0xb8: {  	_ =	strace $0x90000048  }
0xb9: {  	_ =	sfence  }
0xba: {  	s30 =	sld [smem:$0x0];
	_ =	sdelay $0x2  }
0xbb: {  	s31 =	sshll.u32 s1, $0xD;
	s1 =	sshrl.u32 s1, $0x2  }
0xbc: {  	s3 =	sand.u32 $0x4000, s31;
	s1 =	sadd.s32 s1, s30  }
0xbd: {  	s0 =	sor.u32 s3, s0;
	s1 =	sshll.u32 s1, $0x11  }
0xbe: {  	s0 =	sor.u32 s1, s0  }
0xbf: {  	s0 =	sadd.s32 $0x8F2B, s0  }
0xc0: {  	[sflag:s0] =	ssyncadd.remote.s32 $0x1  }
0xc1: {  	_ =	sfence.sel $0xFFFF  }
0xc2: {  	[dreg:$0x0] =	wrdreg $0xFFFFFFFF;
	(pc) =	sbr.abs _section_cstart, $3  }
0xc3: {  	[dreg:$0x1] =	wrdreg $0xFFFFFFFF  }
0xc4: {  	_ =	task.clear_ibuf [dreg:s8], $0x2FFFF;
	_ =	strace $0x9FFFFFFF  }
0xc5: {  	(tm) =	ssettm $0x7FFFFFFF  }
tec
execute0_lowered:
.L_overlay_start_1:
0x0: {  	(tag) =	ssettag $0x1  }
0x1: {  	s1 =	rddreg [dreg:$0x0]  }
0x2: {  	s0 =	rddreg [dreg:$0x1];
	v0 =	vimm.s32 $0xEDCBA987  }
0x3: {  	s2 =	rddreg [dreg:$0x2];
	v1 =	vimm.s32 $0x65432100;
	v2 =	vunpack.c.l.s4.s8 v0  }
0x4: {  	s3 =	rddreg [dreg:$0x3];
	v4 =	vimm.s32 $0xDCBA9876;
	v5 =	vimm.s32 $0x54321000;
	v3 =	vunpack.c.l.s4.s8 v1  }
0x5: {  	s4 =	simm.s32 $0x0;
	s5 =	srdreg.scid;
	s17 =	stileid.u32;
	v6 =	vimm.s32 $0xBA987654;
	vm0 =	vmmov $0x3;
	v2 =	vunpack.c.0.s8.s32 v2  }
0x6: {  	s20 =	simm.s32 $0x2;
	s21 =	simm.s32 $0xE20;
	s22 =	simm.s32 $0x320;
	vm2 =	vcmask $0x3F30;
	vm1 =	vmmov $0xf;
	v3 =	vunpack.c.0.s8.s32 v3  }
0x7: {  	s23 =	simm.s32 $0x640;
	s24 =	simm.s32 $0x1;
	s25 =	simm.s32 $0x40;
	v0 =	vimm.f32 $0.0e+00;
	v4 =	vunpack.c.l.s4.s8 v4;
	v2 =	vand.u32 $0xF, v2  }
0x8: {  	s26 =	simm.s32 $0xDA0;
	s28 =	simm.s32 $0xDE0;
	s31 =	simm.s32 $0x0;
	v2 =	vcombine.low v3, v2;
	v3 =	vunpack.c.l.s4.s8 v5;
	v5 =	vimm.s32 $0xE40000  }
0x9: {  	[smem:$0x7FF] =	sst s4;
	v1 =	vimm.s32 $0x0;
	s6 =	sand.u32 $0x1, s5;
	s29 =	smul.u32 $0x2D000, s17;
	v4 =	vunpack.c.0.s8.s32 v4;
	v5 =	vunpack.c.l.s2.s4 v5  }
0xa: {  	s7 =	sadd.s32 $0x2D200, s1;
	s8 =	sadd.s32 $0x200, s1;
	s9 =	sadd.s32 $0x37000, s1;
	v6 =	vunpack.c.l.s4.s8 v6;
	v7 =	vunpack.c.0.s8.s32 v3;
	v3 =	vimm.s32 $0x32100000  }
0xb: {  	_ =	strace $0x80000047;
	s10 =	ssub.s32 $0x2, s6;
	s12 =	sshll.u32 s6, $0x7;
	v4 =	vand.u32 $0xF, v4;
	v8 =	vunpack.c.l.s4.s8 v3;
	v5 =	vunpack.c.l.s4.s8 v5  }
.Ltmp0:
0xc: {  	s11 =	sshrl.u32 s10, $0x1;
	s5 =	sshrl.u32 s29, $0x2;
	v6 =	vunpack.c.0.s8.s32 v6;
	v3 =	vlaneseq.u32;
	v4 =	vcombine.low v7, v4;
	(pc) =	sbr.rel .LBB2_1-.Ltmp0, $4  }
0xd: {  	s12 =	sadd.s32 s1, s12;
	s18 =	ssub.s32 s10, s11;
	s11 =	smul.u32 $0x140, s17;
	v7 =	vunpack.c.0.s8.s32 v8;
	v8 =	vimm.s32 $0x7060504;
	v9 =	vunpack.c.0.s8.s32 v5  }
0xe: {  	s10 =	sadd.s32 s5, s3;
	s17 =	smul.u32 $0x4E20, s17;
	s5 =	simm.s32 $0x0;
	v5 =	vand.u32 $0xF, v6;
	v6 =	vunpack.c.0.s8.s32 v8;
	v8 =	vadd.s32 $0x1, v3  }
0xf: {  	s13 =	sadd.s32 $0x2400, s10;
	s14 =	sadd.s32 $0x4800, s10;
	s30 =	smax.u32 s18, $0x1;
	v5 =	vcombine.low v7, v5;
	v7 =	vand.u32 $0x3, v9;
	v9 =	vimm.s32 $0x1400  }
0x10: {  	s15 =	sadd.s32 $0x6C00, s10;
	s16 =	sadd.s32 $0x9000, s10;
	[dreg:$0x5] =	wrdreg s30;
	v6 =	vsel vm2, v6, v7;
	vm2 =	vmmov $0xff;
	v7 =	vimm.s32 $0x7  }
.LBB2_17:
0x11: {  	s5 =	rddreg [dreg:$0x6]  }
0x12: {  	s1 =	rddreg [dreg:$0x5];
	s5 =	sadd.s32 $0x1, s5  }
0x13: {  	p0 =	sne.s32 s5, s1  }
.Ltmp1:
0x14: {  	_ = 	snop;
	(pc) =	sbr.rel @!p0 .LBB2_18-.Ltmp1, $1  }
0x15: {  	_ =	sdelay $0x3  }
.LBB2_1:
.Ltmp2:
0x16: {  	(pc) =	sbr.rel .LBB2_2-.Ltmp2, $2  }
0x17: {  	_ =	sdelay $0x2  }
0x18: {  	[dreg:$0x6] =	wrdreg s5;
	s30 =	simm.s32 $0x0  }
.LBB2_15:
0x19: {  	[sflag:s24] =	ssyncadd.s32 $0xFFFFDC00  }
0x1a: {  	[spmem:s3] =	stream.indirect.scatter.add.f32 [tilespmem:s21], [sflag:$0x2], $0x90, s28, s25, $0xb8;
	[tilespmem:$0xE668] =	vst v63  }
0x1b: {  	_ =	swait.ge [sflag:s20], $0x2400  }
0x1c: {  	[sflag:s20] =	ssyncset.done $0x0  }
0x1d: {  	[sflag:s20] =	ssyncadd.s32 $0xFFFFDC00  }
.LBB2_16:
0x1e: {  	s1 =	sand.u32 $0x6, s30;
	s5 =	sand.u32 $0x1, s30;
	[bflag:$0x0] =	sbarrier.arrive $0xFFFF  }
0x1f: {  	s1 =	sor.u32 s6, s1;
	p0 =	seq.s32 s5, $0x1;
	s5 =	simm.s32 $0x1400  }
0x20: {  	[tilespmem:s21], [sflag:$0x2] =	stream.linear.gather [spmem:s10], $0x2400, $0x38;
	[tilespmem:$0xE668] =	vst v63  }
0x21: {  	s1 =	smul.u32 $0x2800, s1;
	s5 =	simm.s32 @!p0 $0x0  }
0x22: {  	s5 =	sadd.s32 s11, s5  }
0x23: {  	s1 =	sadd.s32 s1, s5  }
0x24: {  	_ =	swait.ge [sflag:s20], $0x2400;
	s5 =	smul.u32 $0x12, s1  }
0x25: {  	[sflag:s20] =	ssyncset.done $0x0  }
0x26: {  	[sflag:s20] =	ssyncadd.s32 $0xFFFFDC00;
	s5 =	sadd.s32 s9, s5  }
0x27: {  	[hbm4b:s5+s4] =	stream.linear.scatter [tilespmem:s21], [sflag:$0x2], $0x2400, $0x38;
	[tilespmem:$0xE668] =	vst v63  }
0x28: {  	_ =	swait.ge [sflag:s20], $0x2400  }
0x29: {  	[sflag:s20] =	ssyncset.done $0x0  }
0x2a: {  	s1 =	smul.u32 $0x90, s1;
	[sflag:s20] =	ssyncadd.s32 $0xFFFFDC00  }
0x2b: {  	[tilespmem:s21], [sflag:$0x2] =	stream.linear.gather [spmem:s13], $0x2400, $0x38;
	[tilespmem:$0xE668] =	vst v63  }
0x2c: {  	s1 =	sshrl.u32 s1, $0x3;
	_ =	swait.ge [sflag:s20], $0x2400  }
0x2d: {  	s1 =	sadd.s32 s9, s1;
	[sflag:s20] =	ssyncset.done $0x0  }
0x2e: {  	s18 =	sadd.s32 $0x480, s1;
	[sflag:s20] =	ssyncadd.s32 $0xFFFFDC00  }
0x2f: {  	[hbm4b:s18+s4] =	stream.linear.scatter [tilespmem:s21], [sflag:$0x2], $0x2400, $0x38;
	[tilespmem:$0xE668] =	vst v63  }
0x30: {  	_ =	swait.ge [sflag:s20], $0x2400  }
0x31: {  	[sflag:s20] =	ssyncset.done $0x0  }
0x32: {  	[sflag:s20] =	ssyncadd.s32 $0xFFFFDC00  }
0x33: {  	[tilespmem:s21], [sflag:$0x2] =	stream.linear.gather [spmem:s14], $0x2400, $0x38;
	[tilespmem:$0xE668] =	vst v63  }
0x34: {  	_ =	swait.ge [sflag:s20], $0x2400  }
0x35: {  	[sflag:s20] =	ssyncset.done $0x0  }
0x36: {  	s19 =	sadd.s32 $0x900, s1;
	[sflag:s20] =	ssyncadd.s32 $0xFFFFDC00  }
0x37: {  	[hbm4b:s19+s4] =	stream.linear.scatter [tilespmem:s21], [sflag:$0x2], $0x2400, $0x38;
	[tilespmem:$0xE668] =	vst v63  }
0x38: {  	_ =	swait.ge [sflag:s20], $0x2400  }
0x39: {  	[sflag:s20] =	ssyncset.done $0x0  }
0x3a: {  	[sflag:s20] =	ssyncadd.s32 $0xFFFFDC00  }
0x3b: {  	[tilespmem:s21], [sflag:$0x2] =	stream.linear.gather [spmem:s15], $0x2400, $0x38;
	[tilespmem:$0xE668] =	vst v63  }
0x3c: {  	_ =	swait.ge [sflag:s20], $0x2400  }
0x3d: {  	[sflag:s20] =	ssyncset.done $0x0  }
0x3e: {  	s29 =	sadd.s32 $0xD80, s1;
	[sflag:s20] =	ssyncadd.s32 $0xFFFFDC00  }
0x3f: {  	[hbm4b:s29+s4] =	stream.linear.scatter [tilespmem:s21], [sflag:$0x2], $0x2400, $0x38;
	[tilespmem:$0xE668] =	vst v63  }
0x40: {  	_ =	swait.ge [sflag:s20], $0x2400  }
0x41: {  	[sflag:s20] =	ssyncset.done $0x0  }
0x42: {  	[sflag:s20] =	ssyncadd.s32 $0xFFFFDC00  }
0x43: {  	[tilespmem:s21], [sflag:$0x2] =	stream.linear.gather [spmem:s16], $0x2400, $0x38;
	[tilespmem:$0xE668] =	vst v63  }
0x44: {  	_ =	swait.ge [sflag:s20], $0x2400  }
0x45: {  	s30 =	sadd.s32 $0x1, s30;
	[sflag:s20] =	ssyncset.done $0x0  }
0x46: {  	p0 =	sne.s32 s30, $0x8;
	s1 =	sadd.s32 $0x1200, s1;
	[sflag:s20] =	ssyncadd.s32 $0xFFFFDC00  }
0x47: {  	[hbm4b:s1+s4] =	stream.linear.scatter [tilespmem:s21], [sflag:$0x2], $0x2400, $0x38;
	[tilespmem:$0xE668] =	vst v63  }
.Ltmp3:
0x48: {  	_ =	swait.ge [sflag:s20], $0x2400;
	(pc) =	sbr.rel @!p0 .LBB2_17-.Ltmp3, $3  }
0x49: {  	[sflag:s20] =	ssyncset.done $0x0  }
0x4a: {  	[sflag:s20] =	ssyncadd.s32 $0xFFFFDC00  }
0x4b: {  	[bflag:$0x0] =	sbarrier.arrive $0xFFFF;
	_ =	sdelay $0x1  }
.LBB2_2:
0x4c: {  	s1 =	sshll.u32 s30, $0x4  }
0x4d: {  	s5 =	simm.s32 $0x0;
	s18 =	simm.s32 $0xD20;
	s1 =	sadd.s32 s1, s12  }
0x4e: {  	[tilespmem:s18], [sflag:$0x2] =	stream.linear.gather [hbm4b:s1+s5], $0x80, $0x38;
	[tilespmem:$0xE668] =	vst v63  }
0x4f: {  	_ =	swait.ge [sflag:s20], $0x80  }
0x50: {  	[sflag:s20] =	ssyncset.done $0x0  }
0x51: {  	s1 =	simm.s32 $0x0;
	s5 =	simm.s32 $0x240;
	[sflag:s20] =	ssyncadd.s32 $0xFFFFFF80  }
.LBB2_3:
0x52: {  	p0 =	sne.s32 s5, $0x8DC0;
	[tilespmem:s1+$0xEA0] =	vst v0  }
0x53: {  	[tilespmem:s1+$0xE20] =	vst v0  }
0x54: {  	[tilespmem:s1+$0xE30] =	vst v0  }
0x55: {  	[tilespmem:s1+$0xE40] =	vst v0  }
.Ltmp4:
0x56: {  	[tilespmem:s1+$0xE50] =	vst v0;
	(pc) =	sbr.rel @p0 .LBB2_3-.Ltmp4, $4  }
0x57: {  	[tilespmem:s1+$0xE60] =	vst v0  }
0x58: {  	[tilespmem:s1+$0xE70] =	vst v0  }
0x59: {  	[tilespmem:s1+$0xE80] =	vst v0  }
0x5a: {  	[tilespmem:s1+$0xE90] =	vst v0;
	s1 =	sshra.s32 s5, $0x2;
	s5 =	sadd.s32 $0x240, s5  }
0x5b: {  	[tilespmem:s1+$0xEA0] =	vst v0  }
0x5c: {  	[tilespmem:s1+$0xE20] =	vst v0  }
0x5d: {  	[tilespmem:s1+$0xE30] =	vst v0  }
0x5e: {  	[tilespmem:s1+$0xE40] =	vst v0  }
0x5f: {  	[tilespmem:s1+$0xE50] =	vst v0  }
0x60: {  	[tilespmem:s1+$0xE60] =	vst v0  }
0x61: {  	[tilespmem:s1+$0xE70] =	vst v0  }
0x62: {  	[tilespmem:s1+$0xE80] =	vst v0  }
0x63: {  	[tilespmem:s1+$0xE90] =	vst v0  }
0x64: {  	[spmem:s10] =	stream.linear.scatter [tilespmem:s21], [sflag:$0x2], $0x2400, $0x38;
	[tilespmem:$0xE668] =	vst v63  }
0x65: {  	_ =	swait.ge [sflag:s20], $0x2400  }
0x66: {  	[sflag:s20] =	ssyncset.done $0x0  }
0x67: {  	[sflag:s20] =	ssyncadd.s32 $0xFFFFDC00  }
0x68: {  	[spmem:s13] =	stream.linear.scatter [tilespmem:s21], [sflag:$0x2], $0x2400, $0x38;
	[tilespmem:$0xE668] =	vst v63  }
0x69: {  	_ =	swait.ge [sflag:s20], $0x2400  }
0x6a: {  	[sflag:s20] =	ssyncset.done $0x0  }
0x6b: {  	[sflag:s20] =	ssyncadd.s32 $0xFFFFDC00  }
0x6c: {  	[spmem:s14] =	stream.linear.scatter [tilespmem:s21], [sflag:$0x2], $0x2400, $0x38;
	[tilespmem:$0xE668] =	vst v63  }
0x6d: {  	_ =	swait.ge [sflag:s20], $0x2400  }
0x6e: {  	[sflag:s20] =	ssyncset.done $0x0  }
0x6f: {  	[sflag:s20] =	ssyncadd.s32 $0xFFFFDC00  }
0x70: {  	[spmem:s15] =	stream.linear.scatter [tilespmem:s21], [sflag:$0x2], $0x2400, $0x38;
	[tilespmem:$0xE668] =	vst v63  }
0x71: {  	_ =	swait.ge [sflag:s20], $0x2400  }
0x72: {  	[sflag:s20] =	ssyncset.done $0x0  }
0x73: {  	[sflag:s20] =	ssyncadd.s32 $0xFFFFDC00  }
0x74: {  	[spmem:s16] =	stream.linear.scatter [tilespmem:s21], [sflag:$0x2], $0x2400, $0x38;
	[tilespmem:$0xE668] =	vst v63  }
.Ltmp5:
0x75: {  	_ =	swait.ge [sflag:s20], $0x2400;
	(pc) =	sbr.rel .LBB2_5-.Ltmp5, $4  }
0x76: {  	[sflag:s20] =	ssyncset.done $0x0  }
0x77: {  	[sflag:s20] =	ssyncadd.s32 $0xFFFFDC00  }
0x78: {  	[bflag:$0x0] =	sbarrier.arrive $0xFFFF  }
0x79: {  	s5 =	simm.s32 $0x0;
	s1 =	simm.s32 $0x0  }
.LBB2_10:
0x7a: {  	[sflag:s24] =	ssyncadd.s32 $0xFFFFDC00  }
0x7b: {  	[spmem:s3] =	stream.indirect.scatter.add.f32 [tilespmem:s21], [sflag:$0x2], $0x90, s28, s25, $0xb8;
	[tilespmem:$0xE668] =	vst v63  }
0x7c: {  	_ =	swait.ge [sflag:s20], $0x2400  }
0x7d: {  	[sflag:s20] =	ssyncset.done $0x0  }
0x7e: {  	[sflag:s20] =	ssyncadd.s32 $0xFFFFDC00  }
.LBB2_11:
0x7f: {  	s5 =	sshll.u32 s5, $0x6  }
0x80: {  	v10 =	vld [tilespmem:s5+$0x960];
	_ =	sdelay $0x4  }
0x81: {  	[tilespmem:$0x960] =	vst v10  }
0x82: {  	v10 =	vld [tilespmem:s5+$0x970];
	_ =	sdelay $0x4  }
0x83: {  	[tilespmem:$0x970] =	vst v10  }
0x84: {  	v10 =	vld [tilespmem:s5+$0x980];
	_ =	sdelay $0x4  }
0x85: {  	s1 =	sadd.s32 $0x1, s1;
	[tilespmem:$0x980] =	vst v10  }
0x86: {  	p0 =	sne.s32 s1, $0x19;
	v10 =	vld [tilespmem:s5+$0x990]  }
.Ltmp6:
0x87: {  	_ = 	snop;
	(pc) =	sbr.rel @!p0 .LBB2_12-.Ltmp6, $2  }
0x88: {  	_ =	sdelay $0x2  }
0x89: {  	s5 =	ssub.s32 s29, s5;
	[tilespmem:$0x990] =	vst v10  }
.LBB2_5:
0x8a: {  	s18 =	smul.u32 $0x320, s1;
	_ =	sdelay $0x1  }
0x8b: {  	s18 =	sadd.s32 s17, s18  }
0x8c: {  	s18 =	sshrl.u32 s18, $0x3  }
0x8d: {  	s19 =	sadd.s32 s7, s18  }
0x8e: {  	[tilespmem:s31], [sflag:$0x2] =	stream.linear.gather [hbm4b:s19+s31], $0x320, $0x38;
	[tilespmem:$0xE668] =	vst v63  }
0x8f: {  	_ =	swait.ge [sflag:s20], $0x320  }
0x90: {  	[sflag:s20] =	ssyncset.done $0x0  }
0x91: {  	s19 =	sadd.s32 s0, s18;
	[sflag:s20] =	ssyncadd.s32 $0xFFFFFCE0  }
0x92: {  	[tilespmem:s22], [sflag:$0x2] =	stream.linear.gather [hbm4b:s19+s31], $0x320, $0x38;
	[tilespmem:$0xE668] =	vst v63  }
0x93: {  	_ =	swait.ge [sflag:s20], $0x320  }
0x94: {  	[sflag:s20] =	ssyncset.done $0x0  }
0x95: {  	s18 =	sadd.s32 s2, s18;
	[sflag:s20] =	ssyncadd.s32 $0xFFFFFCE0  }
0x96: {  	[tilespmem:s23], [sflag:$0x2] =	stream.linear.gather [hbm4b:s18+s31], $0x320, $0x38;
	[tilespmem:$0xE668] =	vst v63  }
0x97: {  	_ =	swait.ge [sflag:s20], $0x320  }
0x98: {  	[sflag:s20] =	ssyncset.done $0x0  }
0x99: {  	[sflag:s20] =	ssyncadd.s32 $0xFFFFFCE0  }
0x9a: {  	v10 =	vld [tilespmem:$0xD20]  }
0x9b: {  	s29 =	simm.s32 $0x0;
	s19 =	simm.s32 $0x40;
	s18 =	smov.u32 s5;
	v11 =	vld [tilespmem:$0xD30]  }
.LBB2_6:
0x9c: {  	p0 =	sne.s32 s19, $0xC40;
	v12 =	vld [tilespmem:s29+$0x320]  }
0x9d: {  	v13 =	vld [tilespmem:s29+$0x640];
	_ =	sdelay $0x3  }
0x9e: {  	v11 =	vsub.s32 v12, v11  }
0x9f: {  	vm3 =	veq.s32 v13, v10;
	vm4 =	vlt.u32 v11, $0x1400  }
0xa0: {  	vm3 =	vmand vm4, vm3  }
0xa1: {  	v10 =	vsel vm3, $0x1, v1  }
0xa2: {  	v12 =	vperm.xlane v10, v2  }
0xa3: {  	vm3 =	veq.s32 v3, $0x0  }
0xa4: {  	v12 =	vsel vm3, $0x0, v12  }
0xa5: {  	v10 =	vadd.s32 v10, v12  }
0xa6: {  	v12 =	vperm.xlane v10, v4;
	_ =	sdelay $0x1  }
0xa7: {  	v12 =	vsel vm0, $0x0, v12  }
0xa8: {  	v10 =	vadd.s32 v12, v10  }
0xa9: {  	v12 =	vperm.xlane v10, v5;
	_ =	sdelay $0x1  }
0xaa: {  	v12 =	vsel vm1, $0x0, v12  }
0xab: {  	v10 =	vadd.s32 v12, v10  }
0xac: {  	v12 =	vperm.xlane v10, v6;
	_ =	sdelay $0x1  }
0xad: {  	v12 =	vsel vm2, $0x0, v12  }
0xae: {  	v10 =	vadd.s32 v12, v10  }
0xaf: {  	v12 =	vperm.xlane v10, v7;
	(v2sf) =	vpush v10, $0xF;
	_ =	sdelay $0x1  }
0xb0: {  	vm4 =	vlt.s32 v12, v8  }
0xb1: {  	v12 =	vsel vm4, $0x8, v1  }
0xb2: {  	v13 =	vor.u32 $0x3, v12  }
0xb3: {  	v13 =	vperm.xlane v10, v13;
	_ =	sdelay $0x1  }
0xb4: {  	vm4 =	vlt.s32 v13, v8  }
0xb5: {  	v13 =	vsel vm4, $0x4, v1  }
0xb6: {  	v12 =	vor.u32 v12, v13  }
0xb7: {  	v13 =	vor.u32 $0x1, v12  }
0xb8: {  	v13 =	vperm.xlane v10, v13;
	_ =	sdelay $0x1  }
0xb9: {  	vm4 =	vlt.s32 v13, v8  }
0xba: {  	v13 =	vld [tilespmem:s29+$0x0];
	v14 =	vsel vm4, $0x2, v1  }
0xbb: {  	v12 =	vor.u32 v14, v12;
	s29 =	spop (v2sf)  }
0xbc: {  	v10 =	vperm.xlane v10, v12;
	s5 =	sadd.s32 s5, s29;
	_ =	sdelay $0x1  }
0xbd: {  	vm4 =	vlt.s32 v10, v8  }
0xbe: {  	v10 =	vshll.u32 v13, $0xE;
	v13 =	vsel vm4, $0x1, v1  }
0xbf: {  	v10 =	vadd.s32 v11, v10;
	v11 =	vor.u32 v13, v12  }
.Ltmp7:
0xc0: {  	v10 =	vperm.xlane v10, v11;
	(pc) =	sbr.rel @p0 .LBB2_6-.Ltmp7, $4  }
0xc1: {  	_ = 	snop  }
0xc2: {  	[tilespmem:s18+$0x960] =	vst v10;
	s18 =	smov.u32 s5  }
0xc3: {  	v10 =	vld [tilespmem:$0xD20]  }
0xc4: {  	s29 =	sshra.s32 s19, $0x2;
	s19 =	sadd.s32 $0x40, s19;
	v11 =	vld [tilespmem:$0xD30]  }
0xc5: {  	v12 =	vld [tilespmem:s29+$0x320]  }
0xc6: {  	v13 =	vld [tilespmem:s29+$0x640];
	_ =	sdelay $0x3  }
0xc7: {  	v11 =	vsub.s32 v12, v11  }
0xc8: {  	vm4 =	veq.s32 v13, v10;
	vm5 =	vlt.u32 v11, $0x1400  }
0xc9: {  	vm4 =	vmand vm5, vm4  }
0xca: {  	v10 =	vsel vm4, $0x1, v1  }
0xcb: {  	v60 =	vperm.xlane v10, v2;
	_ =	sdelay $0x1  }
0xcc: {  	v12 =	vsel vm3, $0x0, v60  }
0xcd: {  	v10 =	vadd.s32 v10, v12  }
0xce: {  	v12 =	vperm.xlane v10, v4;
	_ =	sdelay $0x1  }
0xcf: {  	v12 =	vsel vm0, $0x0, v12  }
0xd0: {  	v10 =	vadd.s32 v12, v10  }
0xd1: {  	v12 =	vperm.xlane v10, v5;
	_ =	sdelay $0x1  }
0xd2: {  	v12 =	vsel vm1, $0x0, v12  }
0xd3: {  	v10 =	vadd.s32 v12, v10  }
0xd4: {  	v12 =	vperm.xlane v10, v6;
	_ =	sdelay $0x1  }
0xd5: {  	v12 =	vsel vm2, $0x0, v12  }
0xd6: {  	v10 =	vadd.s32 v12, v10  }
0xd7: {  	(v2sf) =	vpush v10, $0xF;
	_ =	sdelay $0x4  }
0xd8: {  	v12 =	vperm.xlane v10, v7;
	_ =	sdelay $0x1  }
0xd9: {  	vm3 =	vlt.s32 v12, v8  }
0xda: {  	v12 =	vsel vm3, $0x8, v1  }
0xdb: {  	v61 =	vor.u32 $0x3, v12  }
0xdc: {  	v13 =	vperm.xlane v10, v61;
	_ =	sdelay $0x1  }
0xdd: {  	vm3 =	vlt.s32 v13, v8  }
0xde: {  	v13 =	vsel vm3, $0x4, v1  }
0xdf: {  	v12 =	vor.u32 v12, v13  }
0xe0: {  	v13 =	vor.u32 $0x1, v12;
	s19 =	spop (v2sf)  }
0xe1: {  	v62 =	vld [tilespmem:s29+$0x0];
	v13 =	vperm.xlane v10, v13;
	s29 =	sadd.s32 s5, s19  }
0xe2: {  	s5 =	sand.u32 $0x3F, s29  }
0xe3: {  	vm3 =	vlt.s32 v13, v8;
	s19 =	sshra.s32 s29, $0x1F;
	p0 =	slt.s32 s29, $0x1;
	p1 =	sne.s32 s5, $0x0  }
0xe4: {  	v14 =	vsel vm3, $0x2, v1;
	s19 =	sshrl.u32 s19, $0x1A;
	p0 =	por !p0, !p1  }
0xe5: {  	v12 =	vor.u32 v14, v12;
	s5 =	sadd.s32 s19, s29;
	s19 =	simm.s32 $0x1;
	p0 =	por !p0, !p0  }
0xe6: {  	v10 =	vperm.xlane v10, v12;
	s5 =	sshra.s32 s5, $0x6;
	s19 =	simm.s32 @!p0 $0x0  }
0xe7: {  	s5 =	ssub.s32 s5, s19  }
0xe8: {  	vm3 =	vlt.s32 v10, v8;
	p0 =	slt.s32 s5, $0x1  }
.Ltmp8:
0xe9: {  	v10 =	vshll.u32 v62, $0xE;
	v63 =	vsel vm3, $0x1, v1;
	(pc) =	sbr.rel @p0 .LBB2_11-.Ltmp8, $3  }
0xea: {  	v10 =	vadd.s32 v11, v10;
	v11 =	vor.u32 v63, v12  }
0xeb: {  	v10 =	vperm.xlane v10, v11;
	_ =	sdelay $0x1  }
0xec: {  	[tilespmem:s18+$0x960] =	vst v10;
	s18 =	simm.s32 $0x980  }
0xed: {  	v10 =	vld [tilespmem:s18+$0xFFFFFFE0];
	_ =	sdelay $0x4  }
0xee: {  	v11 =	vshrl.u32 v10, $0xE  }
0xef: {  	v10 =	vand.u32 $0x3FFF, v10;
	[tilespmem:$0xDA0] =	vst v11  }
0xf0: {  	[tilespmem:$0xDE0] =	vst v10  }
0xf1: {  	v10 =	vld [tilespmem:s18+$0xFFFFFFF0];
	_ =	sdelay $0x4  }
0xf2: {  	v11 =	vshrl.u32 v10, $0xE  }
0xf3: {  	v10 =	vand.u32 $0x3FFF, v10;
	[tilespmem:$0xDB0] =	vst v11  }
0xf4: {  	[tilespmem:$0xDF0] =	vst v10  }
0xf5: {  	v10 =	vld [tilespmem:s18+$0x0];
	_ =	sdelay $0x4  }
0xf6: {  	v11 =	vshrl.u32 v10, $0xE  }
0xf7: {  	v10 =	vand.u32 $0x3FFF, v10;
	[tilespmem:$0xDC0] =	vst v11  }
0xf8: {  	[tilespmem:$0xE00] =	vst v10  }
0xf9: {  	v10 =	vld [tilespmem:s18+$0x10];
	_ =	sdelay $0x4  }
0xfa: {  	p0 =	sne.s32 s5, $0x1;
	v11 =	vshrl.u32 v10, $0xE  }
.Ltmp9:
0xfb: {  	v10 =	vand.u32 $0x3FFF, v10;
	[tilespmem:$0xDD0] =	vst v11;
	(pc) =	sbr.rel @!p0 .LBB2_10-.Ltmp9, $4  }
0xfc: {  	[tilespmem:$0xE10] =	vst v10  }
0xfd: {  	[tilespmem:s21], [sflag:$0x1] =	stream.indirect.gather [hbm4b:s8+s25], $0x90, s26, s25, $0xb8;
	[tilespmem:$0xE668] =	vst v63  }
0xfe: {  	_ =	swait.ge [sflag:s24], $0x2400  }
0xff: {  	s19 =	sadd.s32 $0xFFFFFFFF, s5;
	[sflag:s24] =	ssyncset.done $0x0  }
.LBB2_9:
0x100: {  	p0 =	sne.s32 s19, $0x1;
	[sflag:s24] =	ssyncadd.s32 $0xFFFFDC00;
	s18 =	sadd.s32 $0x40, s18  }
0x101: {  	[spmem:s3] =	stream.indirect.scatter.add.f32 [tilespmem:s21], [sflag:$0x2], $0x90, s28, s25, $0xb8;
	[tilespmem:$0xE668] =	vst v63  }
0x102: {  	s19 =	sadd.s32 $0xFFFFFFFF, s19;
	_ =	swait.ge [sflag:s20], $0x2400  }
0x103: {  	[sflag:s20] =	ssyncset.done $0x0  }
0x104: {  	[sflag:s20] =	ssyncadd.s32 $0xFFFFDC00  }
0x105: {  	v10 =	vld [tilespmem:s18+$0xFFFFFFE0];
	_ =	sdelay $0x4  }
0x106: {  	v11 =	vshrl.u32 v10, $0xE;
	v10 =	vand.u32 $0x3FFF, v10  }
0x107: {  	[tilespmem:$0xDA0] =	vst v11  }
0x108: {  	[tilespmem:$0xDE0] =	vst v10  }
0x109: {  	v10 =	vld [tilespmem:s18+$0xFFFFFFF0];
	_ =	sdelay $0x4  }
0x10a: {  	v11 =	vshrl.u32 v10, $0xE;
	v10 =	vand.u32 $0x3FFF, v10  }
0x10b: {  	[tilespmem:$0xDB0] =	vst v11  }
0x10c: {  	[tilespmem:$0xDF0] =	vst v10  }
0x10d: {  	v10 =	vld [tilespmem:s18+$0x0];
	_ =	sdelay $0x4  }
0x10e: {  	v11 =	vshrl.u32 v10, $0xE;
	v10 =	vand.u32 $0x3FFF, v10  }
0x10f: {  	[tilespmem:$0xDC0] =	vst v11  }
0x110: {  	[tilespmem:$0xE00] =	vst v10  }
0x111: {  	v10 =	vld [tilespmem:s18+$0x10];
	_ =	sdelay $0x4  }
0x112: {  	v11 =	vshrl.u32 v10, $0xE;
	v10 =	vand.u32 $0x3FFF, v10  }
.Ltmp10:
0x113: {  	[tilespmem:$0xDD0] =	vst v11;
	(pc) =	sbr.rel @p0 .LBB2_9-.Ltmp10, $4  }
0x114: {  	[tilespmem:$0xE10] =	vst v10  }
0x115: {  	[tilespmem:s21], [sflag:$0x1] =	stream.indirect.gather [hbm4b:s8+s25], $0x90, s26, s25, $0xb8;
	[tilespmem:$0xE668] =	vst v63  }
0x116: {  	_ =	swait.ge [sflag:s24], $0x2400  }
0x117: {  	[sflag:s24] =	ssyncset.done $0x0  }
.Ltmp11:
0x118: {  	_ = 	snop;
	(pc) =	sbr.rel .LBB2_10-.Ltmp11, $1  }
0x119: {  	_ =	sdelay $0x3  }
.LBB2_12:
0x11a: {  	s1 =	sadd.s32 $0x3F, s5  }
0x11b: {  	s19 =	sand.u32 $0x3F, s1  }
0x11c: {  	p1 =	slt.s32 s1, $0x1;
	p0 =	sne.s32 s19, $0x0;
	s19 =	sshra.s32 s1, $0x1F  }
0x11d: {  	s19 =	sshrl.u32 s19, $0x1A;
	p0 =	por !p1, !p0  }
0x11e: {  	s1 =	sadd.s32 s19, s1;
	p0 =	por !p0, !p0;
	s19 =	simm.s32 $0x1  }
0x11f: {  	s1 =	sshra.s32 s1, $0x6;
	s19 =	simm.s32 @!p0 $0x0  }
0x120: {  	s18 =	sand.u32 $0xFFFFFFF8, s5;
	[tilespmem:s5+$0x960] =	vst v9;
	s5 =	ssub.s32 s1, s19  }
0x121: {  	p0 =	slt.s32 s5, $0x1  }
.Ltmp12:
0x122: {  	s29 =	sand.u32 $0x7, s29;
	(pc) =	sbr.rel @p0 .LBB2_16-.Ltmp12, $4  }
0x123: {  	s18 =	sor.u32 s29, s18  }
0x124: {  	[tilespmem:s18+$0x970] =	vst v9  }
0x125: {  	[tilespmem:s18+$0x980] =	vst v9  }
0x126: {  	[tilespmem:s18+$0x990] =	vst v9;
	s1 =	simm.s32 $0x980  }
0x127: {  	v10 =	vld [tilespmem:s1+$0xFFFFFFE0];
	_ =	sdelay $0x4  }
0x128: {  	v11 =	vshrl.u32 v10, $0xE  }
0x129: {  	v10 =	vand.u32 $0x3FFF, v10;
	[tilespmem:$0xDA0] =	vst v11  }
0x12a: {  	[tilespmem:$0xDE0] =	vst v10  }
0x12b: {  	v10 =	vld [tilespmem:s1+$0xFFFFFFF0];
	_ =	sdelay $0x4  }
0x12c: {  	v11 =	vshrl.u32 v10, $0xE  }
0x12d: {  	v10 =	vand.u32 $0x3FFF, v10;
	[tilespmem:$0xDB0] =	vst v11  }
0x12e: {  	[tilespmem:$0xDF0] =	vst v10  }
0x12f: {  	v10 =	vld [tilespmem:s1+$0x0];
	_ =	sdelay $0x4  }
0x130: {  	v11 =	vshrl.u32 v10, $0xE  }
0x131: {  	v10 =	vand.u32 $0x3FFF, v10;
	[tilespmem:$0xDC0] =	vst v11  }
0x132: {  	[tilespmem:$0xE00] =	vst v10  }
0x133: {  	v10 =	vld [tilespmem:s1+$0x10];
	_ =	sdelay $0x4  }
0x134: {  	p0 =	sne.s32 s5, $0x1;
	v11 =	vshrl.u32 v10, $0xE  }
.Ltmp13:
0x135: {  	v10 =	vand.u32 $0x3FFF, v10;
	[tilespmem:$0xDD0] =	vst v11;
	(pc) =	sbr.rel @!p0 .LBB2_15-.Ltmp13, $4  }
0x136: {  	[tilespmem:$0xE10] =	vst v10  }
0x137: {  	[tilespmem:s21], [sflag:$0x1] =	stream.indirect.gather [hbm4b:s8+s25], $0x90, s26, s25, $0xb8;
	[tilespmem:$0xE668] =	vst v63  }
0x138: {  	_ =	swait.ge [sflag:s24], $0x2400  }
0x139: {  	s5 =	sadd.s32 $0xFFFFFFFF, s5;
	[sflag:s24] =	ssyncset.done $0x0  }
.LBB2_14:
0x13a: {  	p0 =	sne.s32 s5, $0x1;
	[sflag:s24] =	ssyncadd.s32 $0xFFFFDC00;
	s1 =	sadd.s32 $0x40, s1  }
0x13b: {  	[spmem:s3] =	stream.indirect.scatter.add.f32 [tilespmem:s21], [sflag:$0x2], $0x90, s28, s25, $0xb8;
	[tilespmem:$0xE668] =	vst v63  }
0x13c: {  	s5 =	sadd.s32 $0xFFFFFFFF, s5;
	_ =	swait.ge [sflag:s20], $0x2400  }
0x13d: {  	[sflag:s20] =	ssyncset.done $0x0  }
0x13e: {  	[sflag:s20] =	ssyncadd.s32 $0xFFFFDC00  }
0x13f: {  	v10 =	vld [tilespmem:s1+$0xFFFFFFE0];
	_ =	sdelay $0x4  }
0x140: {  	v11 =	vshrl.u32 v10, $0xE;
	v10 =	vand.u32 $0x3FFF, v10  }
0x141: {  	[tilespmem:$0xDA0] =	vst v11  }
0x142: {  	[tilespmem:$0xDE0] =	vst v10  }
0x143: {  	v10 =	vld [tilespmem:s1+$0xFFFFFFF0];
	_ =	sdelay $0x4  }
0x144: {  	v11 =	vshrl.u32 v10, $0xE;
	v10 =	vand.u32 $0x3FFF, v10  }
0x145: {  	[tilespmem:$0xDB0] =	vst v11  }
0x146: {  	[tilespmem:$0xDF0] =	vst v10  }
0x147: {  	v10 =	vld [tilespmem:s1+$0x0];
	_ =	sdelay $0x4  }
0x148: {  	v11 =	vshrl.u32 v10, $0xE;
	v10 =	vand.u32 $0x3FFF, v10  }
0x149: {  	[tilespmem:$0xDC0] =	vst v11  }
0x14a: {  	[tilespmem:$0xE00] =	vst v10  }
0x14b: {  	v10 =	vld [tilespmem:s1+$0x10];
	_ =	sdelay $0x4  }
0x14c: {  	v11 =	vshrl.u32 v10, $0xE;
	v10 =	vand.u32 $0x3FFF, v10  }
.Ltmp14:
0x14d: {  	[tilespmem:$0xDD0] =	vst v11;
	(pc) =	sbr.rel @p0 .LBB2_14-.Ltmp14, $4  }
0x14e: {  	[tilespmem:$0xE10] =	vst v10  }
0x14f: {  	[tilespmem:s21], [sflag:$0x1] =	stream.indirect.gather [hbm4b:s8+s25], $0x90, s26, s25, $0xb8;
	[tilespmem:$0xE668] =	vst v63  }
0x150: {  	_ =	swait.ge [sflag:s24], $0x2400  }
0x151: {  	[sflag:s24] =	ssyncset.done $0x0  }
.Ltmp15:
0x152: {  	_ = 	snop;
	(pc) =	sbr.rel .LBB2_15-.Ltmp15, $1  }
0x153: {  	_ =	sdelay $0x3  }
.LBB2_18:
0x154: {  	_ =	sfence.sel $0x180000  }
0x155: {  	[bflag:$0x0] =	sbarrier.arrive $0xFFFF  }
0x156: {  	_ =	strace $0x90000047  }
0x157: {  	s0 =	stileid.u32;
	[bflag:$0x2] =	sbarrier.arrive $0xFFFF  }
0x158: {  	p0 =	sne.s32 s0, $0x0;
	s0 =	rddreg [dreg:$0x4]  }
0x159: {  	s0 =	sadd.s32 @!p0 $0x100000, s0  }
0x15a: {  	[sflag:s0] =	ssyncadd.tile.s32 @!p0 $0x1;
	_ =	shalt  }
.Lfunc_end2:
_tile_overlayer_lowered:
.L_overlay_start_2:
0x15b: {  	(tag) =	ssettag $0x2  }
0x15c: {  	s0 =	rddreg [dreg:$0x0];
	s2 =	stileid.u32  }
0x15d: {  	s1 =	rddreg [dreg:$0x1];
	p0 =	sne.s32 s2, $0x0  }
0x15e: {  	s3 =	rddreg [dreg:$0x2];
	[bflag:$0x3] =	sbarrier.arrive $0xFFFF;
	s2 =	simm.s32 @!p0 $0x1C02  }
0x15f: {  	[timem:s3], [sflag:s2] =	dma.local @!p0 [hbm:s0], s1  }
0x160: {  	s0 =	simm.s32 @!p0 $0x2  }
0x161: {  	_ =	swait.ge @!p0 [sflag:s0], s1  }
0x162: {  	s1 =	ssub.s32 @!p0 $0x0, s1;
	[sflag:s0] =	ssyncset.done @!p0 $0x0  }
0x163: {  	[sflag:s0] =	ssyncadd.s32 @!p0 s1  }
0x164: {  	[bflag:$0x3] =	sbarrier.arrive $0xFFFF  }
0x165: {  	_ =	shalt  }

</sc_bundles>
